<compile_context>
chip_gen: v7x
topology: tpu7x:2x2x1
jax: 0.10.2.dev20260603
libtpu: 0.0.44.dev20260713+nightly
codegen_flags: <defaults>
</compile_context>

<pallas_src>
import functools

import jax
import jax.numpy as jnp
from jax import lax
from jax.experimental import pallas as pl
from jax.experimental.pallas import tpu as pltpu

Q_W = 1.0
E_W = 0.25


def _dist_argmin_kernel(x_ref, cb_ref, idx_ref, dsum_ref, se_ref):
    TB = x_ref.shape[0]
    K = cb_ref.shape[0]
    KC = 1024
    L = 128

    @pl.when(pl.program_id(0) == 0)
    def _():
        se_ref[...] = jnp.sum(cb_ref[...] ** 2, axis=1).reshape(K // L, L)

    x = x_ref[...]
    x2 = x * -2.0
    sx = jnp.sum(x ** 2, axis=1, keepdims=True)
    v = jnp.full((TB, L), jnp.inf, jnp.float32)
    gi = jnp.zeros((TB, L), jnp.int32)
    for j in range(K // KC):
        cb = cb_ref[j * KC:(j + 1) * KC, :]
        mm2 = lax.dot_general(x2, cb, (((1,), (1,)), ((), ())),
                              preferred_element_type=jnp.float32)
        for g in range(KC // L):
            gg = j * (KC // L) + g
            se_g = se_ref[gg:gg + 1, :]
            col = (sx + se_g) + mm2[:, g * L:(g + 1) * L]
            lt = col < v
            v = jnp.where(lt, col, v)
            gi = jnp.where(lt, j * (KC // L) + g, gi)
    minv = jnp.min(v, axis=1, keepdims=True)
    kfull = gi * L + lax.broadcasted_iota(jnp.int32, (TB, L), 1)
    kbest = jnp.min(jnp.where(v == minv, kfull, jnp.int32(1 << 30)), axis=1)
    idx_ref[...] = kbest.astype(jnp.int32).reshape(TB, 1)
    dsum_ref[...] = jnp.sum(minv).reshape(1, 1, 1)


def _make_sc_gather(V, D, B):
    from jax.experimental.pallas import tpu_sc as plsc

    info = plsc.get_sparse_core_info()
    NC, NS = info.num_cores, info.num_subcores
    NW = NC * NS
    assert B % (8 * NW) == 0
    bpw = B // NW
    mesh = plsc.VectorSubcoreMesh(core_axis_name="c", subcore_axis_name="s")

    @functools.partial(
        pl.kernel, mesh=mesh,
        out_type=jax.ShapeDtypeStruct((B, D), jnp.float32),
        scratch_types=[
            pltpu.VMEM((bpw,), jnp.int32),
            pltpu.VMEM((bpw, D), jnp.float32),
            pltpu.SemaphoreType.DMA,
        ],
    )
    def gather(table_hbm, idx_hbm, out_hbm, idx_v, rows_v, sem):
        wid = lax.axis_index("s") * NC + lax.axis_index("c")
        base = wid * bpw
        pltpu.sync_copy(idx_hbm.at[pl.ds(base, bpw)], idx_v)
        pltpu.async_copy(table_hbm.at[idx_v], rows_v, sem).wait()
        pltpu.sync_copy(rows_v, out_hbm.at[pl.ds(base, bpw)])

    return gather


def kernel(feat, codebook):
    b, c, h, w = feat.shape
    K, dim = codebook.shape
    n = b * h * w
    flat = jnp.transpose(feat, (0, 2, 3, 1)).reshape(n, c)

    TB = 512
    grid = (n // TB,)
    idx, dsum = pl.pallas_call(
        _dist_argmin_kernel,
        grid=grid,
        in_specs=[
            pl.BlockSpec((TB, dim), lambda i: (i, 0)),
            pl.BlockSpec((K, dim), lambda i: (0, 0)),
        ],
        scratch_shapes=[pltpu.VMEM((K // 128, 128), jnp.float32)],
        out_specs=[
            pl.BlockSpec((TB, 1), lambda i: (i, 0)),
            pl.BlockSpec((1, 1, 1), lambda i: (i, 0, 0)),
        ],
        out_shape=[
            jax.ShapeDtypeStruct((n, 1), jnp.int32),
            jax.ShapeDtypeStruct((grid[0], 1, 1), jnp.float32),
        ],
    )(flat, codebook)

    quantize = _make_sc_gather(K, dim, n)(codebook, idx.reshape(n))
    q_feat = jnp.transpose(quantize.reshape(b, h, w, c), (0, 3, 1, 2))
    diff = (Q_W + E_W) * (jnp.sum(dsum) / (n * c))
    return q_feat, diff

# --- scband reference (transcript-rebuilt; emitter-appended) ---
"""Pipeline reference for scband-hihi2-27393301414301 (READ-ONLY COPY).

The authoritative reference and input builder live on the scoring server;
editing this copy changes nothing except your own understanding.
"""

import jax, jax.numpy as jnp
import numpy as np

Q_WEIGHT = 1.0
E_WEIGHT = 0.25
K1 = 8192
DIM = 256


def setup_inputs(seed: int = 0) -> dict:
    key = jax.random.key(seed)
    k1, k2 = jax.random.split(key)
    feat = jax.random.normal(k1, (8, DIM, 24, 24), dtype=jnp.float32)
    # vq1 = nn.Parameter(torch.rand(K, dim)) then xavier_uniform_ init
    limit = float(np.sqrt(6.0 / (K1 + DIM)))
    codebook = jax.random.uniform(k2, (K1, DIM), minval=-limit, maxval=limit, dtype=jnp.float32)
    return {"feat": feat, "codebook": codebook}


def reference(feat, codebook):
    # Faithful port of HIHI2._vector_quantize (parameterized, non-EMA path,
    # normalize=False, _vq_initialized_from_batch=True) with straight-through
    # estimator and commitment/codebook losses weighted by q_weight/e_weight.
    b, c, h, w = feat.shape
    featp = jnp.transpose(feat, (0, 2, 3, 1))            # (b, h, w, c)
    flat = featp.reshape(-1, c)                          # (b*h*w, c)
    # squared L2 distance to every code: |x|^2 + |e|^2 - 2 x.e^T
    distance = (jnp.sum(flat ** 2, axis=1, keepdims=True)
                + jnp.sum(codebook ** 2, axis=1)
                - 2.0 * flat @ codebook.T)               # (b*h*w, K)
    embed_ind = jnp.argmin(distance, axis=1)             # (b*h*w,)
    quantize = jnp.take(codebook, embed_ind, axis=0).reshape(b, h, w, c)
    diff = (Q_WEIGHT * jnp.mean((jax.lax.stop_gradient(quantize) - featp) ** 2)
            + E_WEIGHT * jnp.mean((quantize - jax.lax.stop_gradient(featp)) ** 2))
    q_feat = featp + jax.lax.stop_gradient(quantize - featp)
    q_feat = jnp.transpose(q_feat, (0, 3, 1, 2))         # (b, c, h, w)
    return q_feat, diff

if __name__ == "__main__":
    import jax
    _d = setup_inputs()
    print(jax.jit(kernel)(*tuple(_d.values())))

</pallas_src>

<mosaic_0001>
#map = affine_map<(d0, d1) -> (0, 0)>
#map1 = affine_map<(d0, d1) -> (0)>
module attributes {stable_mosaic.version = 14 : i64} {
  func.func @gather(%arg0: i32, %arg1: i32, %arg2: memref<8192x256xf32, #tpu.memory_space<hbm>>, %arg3: memref<4608xi32, #tpu.memory_space<hbm>>, %arg4: memref<4608x256xf32, #tpu.memory_space<hbm>>, %arg5: memref<144xi32, #tpu.memory_space<vmem>>, %arg6: memref<144x256xf32, #tpu.memory_space<vmem>>, %arg7: memref<!tpu.dma_semaphore, #tpu.memory_space<semaphore_mem>>) attributes {dimension_semantics = [#tpu.dimension_semantics<core_parallel>, #tpu.dimension_semantics<subcore_parallel>], iteration_bounds = array<i64: 2, 16>, scalar_prefetch = 0 : i64, scratch_operands = 3 : i64, tpu.core_type = #tpu.core_type<sc_vector_subcore>, window_params = [{transform_indices = #map}, {transform_indices = #map1}, {transform_indices = #map}]} {
    %mul3A = arith.constant 2 : i32
    %mul3A_0 = arith.muli %arg1, %mul3A : i32
    %add3A = arith.addi %mul3A_0, %arg0 : i32
    %mul3A_1 = arith.constant 144 : i32
    %mul3A_2 = arith.muli %add3A, %mul3A_1 : i32
    "tpu.region"() ({
      %run_scoped3A = tpu.sem_alloc : memref<!tpu.dma_semaphore, #tpu.memory_space<semaphore_mem>>
      %dma_start3A_7 = tpu.memref_slice %arg3[%mul3A_2] : memref<4608xi32, #tpu.memory_space<hbm>> -> memref<144xi32, #tpu.memory_space<hbm>>
      %dma_start3A_8 = tpu.memref_slice %arg3[%mul3A_2] : memref<4608xi32, #tpu.memory_space<hbm>> -> memref<144xi32, #tpu.memory_space<hbm>>
      tpu.enqueue_dma source(%dma_start3A_8 : memref<144xi32, #tpu.memory_space<hbm>>) target(%arg5 : memref<144xi32, #tpu.memory_space<vmem>>) target_semaphore(%run_scoped3A : memref<!tpu.dma_semaphore, #tpu.memory_space<semaphore_mem>>)
      %dma_wait3A_9 = tpu.memref_slice %arg3[%mul3A_2] : memref<4608xi32, #tpu.memory_space<hbm>> -> memref<144xi32, #tpu.memory_space<hbm>>
      %dma_wait3A_10 = tpu.memref_slice %arg3[%mul3A_2] : memref<4608xi32, #tpu.memory_space<hbm>> -> memref<144xi32, #tpu.memory_space<hbm>>
      tpu.wait_dma2 semaphore(%run_scoped3A : memref<!tpu.dma_semaphore, #tpu.memory_space<semaphore_mem>>) src(%dma_wait3A_10 : memref<144xi32, #tpu.memory_space<hbm>>) dst(%arg5 : memref<144xi32, #tpu.memory_space<vmem>>)
      tpu.yield
    }) : () -> ()
    %dma_start3A = arith.constant 0 : i32
    %dma_start3A_3 = arith.constant 0 : i32
    %dma_start3A_4 = tpu.memref_slice %arg2[%dma_start3A, %dma_start3A_3] : memref<8192x256xf32, #tpu.memory_space<hbm>> -> memref<8192x256xf32, #tpu.memory_space<hbm>>
    tpu.enqueue_indirect_dma source(%dma_start3A_4 : memref<8192x256xf32, #tpu.memory_space<hbm>>) target(%arg6 : memref<144x256xf32, #tpu.memory_space<vmem>>) offsets(%arg5 : memref<144xi32, #tpu.memory_space<vmem>>) semaphore(%arg7 : memref<!tpu.dma_semaphore, #tpu.memory_space<semaphore_mem>>)
    %dma_wait3A = arith.constant 0 : i32
    %dma_wait3A_5 = arith.constant 0 : i32
    %dma_wait3A_6 = tpu.memref_slice %arg2[%dma_wait3A, %dma_wait3A_5] : memref<8192x256xf32, #tpu.memory_space<hbm>> -> memref<8192x256xf32, #tpu.memory_space<hbm>>
    tpu.wait_indirect_dma semaphore(%arg7 : memref<!tpu.dma_semaphore, #tpu.memory_space<semaphore_mem>>) src(%dma_wait3A_6 : memref<8192x256xf32, #tpu.memory_space<hbm>>) dst(%arg6 : memref<144x256xf32, #tpu.memory_space<vmem>>)
    "tpu.region"() ({
      %run_scoped3A = tpu.sem_alloc : memref<!tpu.dma_semaphore, #tpu.memory_space<semaphore_mem>>
      %dma_start3A_7 = arith.constant 0 : i32
      %dma_start3A_8 = tpu.memref_slice %arg4[%mul3A_2, %dma_start3A_7] : memref<4608x256xf32, #tpu.memory_space<hbm>> -> memref<144x256xf32, #tpu.memory_space<hbm>>
      %dma_start3A_9 = arith.constant 0 : i32
      %dma_start3A_10 = tpu.memref_slice %arg4[%mul3A_2, %dma_start3A_9] : memref<4608x256xf32, #tpu.memory_space<hbm>> -> memref<144x256xf32, #tpu.memory_space<hbm>>
      tpu.enqueue_dma source(%arg6 : memref<144x256xf32, #tpu.memory_space<vmem>>) target(%dma_start3A_10 : memref<144x256xf32, #tpu.memory_space<hbm>>) target_semaphore(%run_scoped3A : memref<!tpu.dma_semaphore, #tpu.memory_space<semaphore_mem>>)
      %dma_wait3A_11 = arith.constant 0 : i32
      %dma_wait3A_12 = tpu.memref_slice %arg4[%mul3A_2, %dma_wait3A_11] : memref<4608x256xf32, #tpu.memory_space<hbm>> -> memref<144x256xf32, #tpu.memory_space<hbm>>
      %dma_wait3A_13 = arith.constant 0 : i32
      %dma_wait3A_14 = tpu.memref_slice %arg4[%mul3A_2, %dma_wait3A_13] : memref<4608x256xf32, #tpu.memory_space<hbm>> -> memref<144x256xf32, #tpu.memory_space<hbm>>
      tpu.wait_dma2 semaphore(%run_scoped3A : memref<!tpu.dma_semaphore, #tpu.memory_space<semaphore_mem>>) src(%arg6 : memref<144x256xf32, #tpu.memory_space<vmem>>) dst(%dma_wait3A_14 : memref<144x256xf32, #tpu.memory_space<hbm>>)
      tpu.yield
    }) : () -> ()
    return
  }
}

module attributes {stable_mosaic.version = 14 : i64} {
  func.func @_dist_argmin_kernel(%arg0: i32, %arg1: memref<512x256xf32, #tpu.memory_space<vmem>>, %arg2: memref<8192x256xf32, #tpu.memory_space<vmem>>, %arg3: memref<512x1xi32, #tpu.memory_space<vmem>>, %arg4: memref<1x1x1xf32, #tpu.memory_space<vmem>>, %arg5: memref<64x128xf32, #tpu.memory_space<vmem>>) attributes {dimension_semantics = [#tpu.dimension_semantics<arbitrary>], iteration_bounds = array<i64: 9>, scalar_prefetch = 0 : i64, scratch_operands = 1 : i64, tpu.core_type = #tpu.core_type<tc>, window_params = [{transform_indices = @transform_0, window_bounds = array<i64: 512, 256>}, {pipeline_mode = #tpu.pipeline_mode<synchronous>, transform_indices = @transform_1, window_bounds = array<i64: 8192, 256>}, {transform_indices = @transform_2, window_bounds = array<i64: 512, 1>}, {transform_indices = @transform_3, window_bounds = array<i64: 1, 1, 1>}]} {
    %eq3A = arith.constant 0 : i32
    %eq3A_0 = arith.cmpi eq, %arg0, %eq3A : i32
    %convert_element_type3A = arith.extui %eq3A_0 : i1 to i32
    %cond3A = arith.constant 0 : i32
    %cond3A_1 = arith.cmpi ne, %convert_element_type3A, %cond3A : i32
    scf.if %cond3A_1 {
      %get3A_902 = arith.constant 0 : index
      %get3A_903 = arith.constant 0 : index
      %get3A_904 = vector.load %arg2[%get3A_902, %get3A_903] : memref<8192x256xf32, #tpu.memory_space<vmem>>, vector<8192x256xf32>
      %integer_pow3A_905 = arith.mulf %get3A_904, %get3A_904 : vector<8192x256xf32>
      %reduce_sum3A_906 = arith.constant dense<0.000000e+00> : vector<8192xf32>
      %reduce_sum3A_907 = vector.multi_reduction <add>, %integer_pow3A_905, %reduce_sum3A_906 [1] : vector<8192x256xf32> to vector<8192xf32>
      %reshape3A_908 = vector.shape_cast %reduce_sum3A_907 : vector<8192xf32> to vector<64x128xf32>
      %swap3A_909 = arith.constant 0 : index
      %swap3A_910 = arith.constant 0 : index
      %swap3A_911 = vector.load %arg5[%swap3A_909, %swap3A_910] : memref<64x128xf32, #tpu.memory_space<vmem>>, vector<64x128xf32>
      tpu.vector_store %arg5[%swap3A_909, %swap3A_910], %reshape3A_908 {strides = array<i32>} : memref<64x128xf32, #tpu.memory_space<vmem>>, vector<64x128xf32>,
    } else {
    }
    %get3A = arith.constant 0 : index
    %get3A_2 = arith.constant 0 : index
    %get3A_3 = vector.load %arg1[%get3A, %get3A_2] : memref<512x256xf32, #tpu.memory_space<vmem>>, vector<512x256xf32>
    %mul3A = arith.constant -2.000000e+00 : f32
    %mul3A_4 = vector.broadcast %mul3A : f32 to vector<512x256xf32>
    %mul3A_5 = arith.mulf %get3A_3, %mul3A_4 : vector<512x256xf32>
    %integer_pow3A = arith.mulf %get3A_3, %get3A_3 : vector<512x256xf32>
    %reduce_sum3A = arith.constant dense<0.000000e+00> : vector<512xf32>
    %reduce_sum3A_6 = vector.multi_reduction <add>, %integer_pow3A, %reduce_sum3A [1] : vector<512x256xf32> to vector<512xf32>
    %broadcast_in_dim3A = vector.shape_cast %reduce_sum3A_6 : vector<512xf32> to vector<512x1xf32>
    %broadcast_in_dim3A_7 = arith.constant 0x7F800000 : f32
    %broadcast_in_dim3A_8 = vector.broadcast %broadcast_in_dim3A_7 : f32 to vector<512x128xf32>
    %broadcast_in_dim3A_9 = arith.constant 0 : i32
    %broadcast_in_dim3A_10 = vector.broadcast %broadcast_in_dim3A_9 : i32 to vector<512x128xi32>
    %get3A_11 = arith.constant 0 : index
    %get3A_12 = arith.constant 0 : index
    %get3A_13 = vector.load %arg2[%get3A_11, %get3A_12] : memref<8192x256xf32, #tpu.memory_space<vmem>>, vector<1024x256xf32>
    %dot_general3A = arith.constant dense<0.000000e+00> : vector<512x1024xf32>
    %dot_general3A_14 = tpu.matmul %mul3A_5, %get3A_13, %dot_general3A {dimension_numbers = #tpu.dot_dimension_numbers<[1], [1], [0], [0], [0, 0, 1, 0], [], []>, transpose_lhs_hint = false} : vector<512x256xf32>, vector<1024x256xf32>, vector<512x1024xf32> -> vector<512x1024xf32>
    %get3A_15 = arith.constant 0 : index
    %get3A_16 = arith.constant 0 : index
    %get3A_17 = vector.load %arg5[%get3A_15, %get3A_16] : memref<64x128xf32, #tpu.memory_space<vmem>>, vector<1x128xf32>
    %add3A = vector.broadcast %broadcast_in_dim3A : vector<512x1xf32> to vector<512x128xf32>
    %add3A_18 = vector.broadcast %get3A_17 : vector<1x128xf32> to vector<512x128xf32>
    %add3A_19 = arith.addf %add3A, %add3A_18 : vector<512x128xf32>
    %slice3A = vector.extract_strided_slice %dot_general3A_14 {offsets = [0, 0], sizes = [512, 128], strides = [1, 1]} : vector<512x1024xf32> to vector<512x128xf32>
    %add3A_20 = arith.addf %add3A_19, %slice3A : vector<512x128xf32>
    %lt3A = arith.cmpf olt, %add3A_20, %broadcast_in_dim3A_8 : vector<512x128xf32>
    %select_n3A = arith.select %lt3A, %add3A_20, %broadcast_in_dim3A_8 : vector<512x128xi1>, vector<512x128xf32>
    %jit3A = arith.constant 0 : i32
    %broadcast_in_dim3A_21 = vector.broadcast %jit3A : i32 to vector<512x128xi32>
    %select_n3A_22 = arith.select %lt3A, %broadcast_in_dim3A_21, %broadcast_in_dim3A_10 : vector<512x128xi1>, vector<512x128xi32>
    %get3A_23 = arith.constant 1 : index
    %get3A_24 = arith.constant 0 : index
    %get3A_25 = vector.load %arg5[%get3A_23, %get3A_24] : memref<64x128xf32, #tpu.memory_space<vmem>>, vector<1x128xf32>
    %add3A_26 = vector.broadcast %broadcast_in_dim3A : vector<512x1xf32> to vector<512x128xf32>
    %add3A_27 = vector.broadcast %get3A_25 : vector<1x128xf32> to vector<512x128xf32>
    %add3A_28 = arith.addf %add3A_26, %add3A_27 : vector<512x128xf32>
    %slice3A_29 = vector.extract_strided_slice %dot_general3A_14 {offsets = [0, 128], sizes = [512, 128], strides = [1, 1]} : vector<512x1024xf32> to vector<512x128xf32>
    %add3A_30 = arith.addf %add3A_28, %slice3A_29 : vector<512x128xf32>
    %lt3A_31 = arith.cmpf olt, %add3A_30, %select_n3A : vector<512x128xf32>
    %select_n3A_32 = arith.select %lt3A_31, %add3A_30, %select_n3A : vector<512x128xi1>, vector<512x128xf32>
    %jit3A_33 = arith.constant 1 : i32
    %broadcast_in_dim3A_34 = vector.broadcast %jit3A_33 : i32 to vector<512x128xi32>
    %select_n3A_35 = arith.select %lt3A_31, %broadcast_in_dim3A_34, %select_n3A_22 : vector<512x128xi1>, vector<512x128xi32>
    %get3A_36 = arith.constant 2 : index
    %get3A_37 = arith.constant 0 : index
    %get3A_38 = vector.load %arg5[%get3A_36, %get3A_37] : memref<64x128xf32, #tpu.memory_space<vmem>>, vector<1x128xf32>
    %add3A_39 = vector.broadcast %broadcast_in_dim3A : vector<512x1xf32> to vector<512x128xf32>
    %add3A_40 = vector.broadcast %get3A_38 : vector<1x128xf32> to vector<512x128xf32>
    %add3A_41 = arith.addf %add3A_39, %add3A_40 : vector<512x128xf32>
    %slice3A_42 = vector.extract_strided_slice %dot_general3A_14 {offsets = [0, 256], sizes = [512, 128], strides = [1, 1]} : vector<512x1024xf32> to vector<512x128xf32>
    %add3A_43 = arith.addf %add3A_41, %slice3A_42 : vector<512x128xf32>
    %lt3A_44 = arith.cmpf olt, %add3A_43, %select_n3A_32 : vector<512x128xf32>
    %select_n3A_45 = arith.select %lt3A_44, %add3A_43, %select_n3A_32 : vector<512x128xi1>, vector<512x128xf32>
    %jit3A_46 = arith.constant 2 : i32
    %broadcast_in_dim3A_47 = vector.broadcast %jit3A_46 : i32 to vector<512x128xi32>
    %select_n3A_48 = arith.select %lt3A_44, %broadcast_in_dim3A_47, %select_n3A_35 : vector<512x128xi1>, vector<512x128xi32>
    %get3A_49 = arith.constant 3 : index
    %get3A_50 = arith.constant 0 : index
    %get3A_51 = vector.load %arg5[%get3A_49, %get3A_50] : memref<64x128xf32, #tpu.memory_space<vmem>>, vector<1x128xf32>
    %add3A_52 = vector.broadcast %broadcast_in_dim3A : vector<512x1xf32> to vector<512x128xf32>
    %add3A_53 = vector.broadcast %get3A_51 : vector<1x128xf32> to vector<512x128xf32>
    %add3A_54 = arith.addf %add3A_52, %add3A_53 : vector<512x128xf32>
    %slice3A_55 = vector.extract_strided_slice %dot_general3A_14 {offsets = [0, 384], sizes = [512, 128], strides = [1, 1]} : vector<512x1024xf32> to vector<512x128xf32>
    %add3A_56 = arith.addf %add3A_54, %slice3A_55 : vector<512x128xf32>
    %lt3A_57 = arith.cmpf olt, %add3A_56, %select_n3A_45 : vector<512x128xf32>
    %select_n3A_58 = arith.select %lt3A_57, %add3A_56, %select_n3A_45 : vector<512x128xi1>, vector<512x128xf32>
    %jit3A_59 = arith.constant 3 : i32
    %broadcast_in_dim3A_60 = vector.broadcast %jit3A_59 : i32 to vector<512x128xi32>
    %select_n3A_61 = arith.select %lt3A_57, %broadcast_in_dim3A_60, %select_n3A_48 : vector<512x128xi1>, vector<512x128xi32>
    %get3A_62 = arith.constant 4 : index
    %get3A_63 = arith.constant 0 : index
    %get3A_64 = vector.load %arg5[%get3A_62, %get3A_63] : memref<64x128xf32, #tpu.memory_space<vmem>>, vector<1x128xf32>
    %add3A_65 = vector.broadcast %broadcast_in_dim3A : vector<512x1xf32> to vector<512x128xf32>
    %add3A_66 = vector.broadcast %get3A_64 : vector<1x128xf32> to vector<512x128xf32>
    %add3A_67 = arith.addf %add3A_65, %add3A_66 : vector<512x128xf32>
    %slice3A_68 = vector.extract_strided_slice %dot_general3A_14 {offsets = [0, 512], sizes = [512, 128], strides = [1, 1]} : vector<512x1024xf32> to vector<512x128xf32>
    %add3A_69 = arith.addf %add3A_67, %slice3A_68 : vector<512x128xf32>
    %lt3A_70 = arith.cmpf olt, %add3A_69, %select_n3A_58 : vector<512x128xf32>
    %select_n3A_71 = arith.select %lt3A_70, %add3A_69, %select_n3A_58 : vector<512x128xi1>, vector<512x128xf32>
    %jit3A_72 = arith.constant 4 : i32
    %broadcast_in_dim3A_73 = vector.broadcast %jit3A_72 : i32 to vector<512x128xi32>
    %select_n3A_74 = arith.select %lt3A_70, %broadcast_in_dim3A_73, %select_n3A_61 : vector<512x128xi1>, vector<512x128xi32>
    %get3A_75 = arith.constant 5 : index
    %get3A_76 = arith.constant 0 : index
    %get3A_77 = vector.load %arg5[%get3A_75, %get3A_76] : memref<64x128xf32, #tpu.memory_space<vmem>>, vector<1x128xf32>
    %add3A_78 = vector.broadcast %broadcast_in_dim3A : vector<512x1xf32> to vector<512x128xf32>
    %add3A_79 = vector.broadcast %get3A_77 : vector<1x128xf32> to vector<512x128xf32>
    %add3A_80 = arith.addf %add3A_78, %add3A_79 : vector<512x128xf32>
    %slice3A_81 = vector.extract_strided_slice %dot_general3A_14 {offsets = [0, 640], sizes = [512, 128], strides = [1, 1]} : vector<512x1024xf32> to vector<512x128xf32>
    %add3A_82 = arith.addf %add3A_80, %slice3A_81 : vector<512x128xf32>
    %lt3A_83 = arith.cmpf olt, %add3A_82, %select_n3A_71 : vector<512x128xf32>
    %select_n3A_84 = arith.select %lt3A_83, %add3A_82, %select_n3A_71 : vector<512x128xi1>, vector<512x128xf32>
    %jit3A_85 = arith.constant 5 : i32
    %broadcast_in_dim3A_86 = vector.broadcast %jit3A_85 : i32 to vector<512x128xi32>
    %select_n3A_87 = arith.select %lt3A_83, %broadcast_in_dim3A_86, %select_n3A_74 : vector<512x128xi1>, vector<512x128xi32>
    %get3A_88 = arith.constant 6 : index
    %get3A_89 = arith.constant 0 : index
    %get3A_90 = vector.load %arg5[%get3A_88, %get3A_89] : memref<64x128xf32, #tpu.memory_space<vmem>>, vector<1x128xf32>
    %add3A_91 = vector.broadcast %broadcast_in_dim3A : vector<512x1xf32> to vector<512x128xf32>
    %add3A_92 = vector.broadcast %get3A_90 : vector<1x128xf32> to vector<512x128xf32>
    %add3A_93 = arith.addf %add3A_91, %add3A_92 : vector<512x128xf32>
    %slice3A_94 = vector.extract_strided_slice %dot_general3A_14 {offsets = [0, 768], sizes = [512, 128], strides = [1, 1]} : vector<512x1024xf32> to vector<512x128xf32>
    %add3A_95 = arith.addf %add3A_93, %slice3A_94 : vector<512x128xf32>
    %lt3A_96 = arith.cmpf olt, %add3A_95, %select_n3A_84 : vector<512x128xf32>
    %select_n3A_97 = arith.select %lt3A_96, %add3A_95, %select_n3A_84 : vector<512x128xi1>, vector<512x128xf32>
    %jit3A_98 = arith.constant 6 : i32
    %broadcast_in_dim3A_99 = vector.broadcast %jit3A_98 : i32 to vector<512x128xi32>
    %select_n3A_100 = arith.select %lt3A_96, %broadcast_in_dim3A_99, %select_n3A_87 : vector<512x128xi1>, vector<512x128xi32>
    %get3A_101 = arith.constant 7 : index
    %get3A_102 = arith.constant 0 : index
    %get3A_103 = vector.load %arg5[%get3A_101, %get3A_102] : memref<64x128xf32, #tpu.memory_space<vmem>>, vector<1x128xf32>
    %add3A_104 = vector.broadcast %broadcast_in_dim3A : vector<512x1xf32> to vector<512x128xf32>
    %add3A_105 = vector.broadcast %get3A_103 : vector<1x128xf32> to vector<512x128xf32>
    %add3A_106 = arith.addf %add3A_104, %add3A_105 : vector<512x128xf32>
    %slice3A_107 = vector.extract_strided_slice %dot_general3A_14 {offsets = [0, 896], sizes = [512, 128], strides = [1, 1]} : vector<512x1024xf32> to vector<512x128xf32>
    %add3A_108 = arith.addf %add3A_106, %slice3A_107 : vector<512x128xf32>
    %lt3A_109 = arith.cmpf olt, %add3A_108, %select_n3A_97 : vector<512x128xf32>
    %select_n3A_110 = arith.select %lt3A_109, %add3A_108, %select_n3A_97 : vector<512x128xi1>, vector<512x128xf32>
    %jit3A_111 = arith.constant 7 : i32
    %broadcast_in_dim3A_112 = vector.broadcast %jit3A_111 : i32 to vector<512x128xi32>
    %select_n3A_113 = arith.select %lt3A_109, %broadcast_in_dim3A_112, %select_n3A_100 : vector<512x128xi1>, vector<512x128xi32>
    %get3A_114 = arith.constant 1024 : index
    %get3A_115 = arith.constant 0 : index
    %get3A_116 = vector.load %arg2[%get3A_114, %get3A_115] : memref<8192x256xf32, #tpu.memory_space<vmem>>, vector<1024x256xf32>
    %dot_general3A_117 = arith.constant dense<0.000000e+00> : vector<512x1024xf32>
    %dot_general3A_118 = tpu.matmul %mul3A_5, %get3A_116, %dot_general3A_117 {dimension_numbers = #tpu.dot_dimension_numbers<[1], [1], [0], [0], [0, 0, 1, 0], [], []>, transpose_lhs_hint = false} : vector<512x256xf32>, vector<1024x256xf32>, vector<512x1024xf32> -> vector<512x1024xf32>
    %get3A_119 = arith.constant 8 : index
    %get3A_120 = arith.constant 0 : index
    %get3A_121 = vector.load %arg5[%get3A_119, %get3A_120] : memref<64x128xf32, #tpu.memory_space<vmem>>, vector<1x128xf32>
    %add3A_122 = vector.broadcast %broadcast_in_dim3A : vector<512x1xf32> to vector<512x128xf32>
    %add3A_123 = vector.broadcast %get3A_121 : vector<1x128xf32> to vector<512x128xf32>
    %add3A_124 = arith.addf %add3A_122, %add3A_123 : vector<512x128xf32>
    %slice3A_125 = vector.extract_strided_slice %dot_general3A_118 {offsets = [0, 0], sizes = [512, 128], strides = [1, 1]} : vector<512x1024xf32> to vector<512x128xf32>
    %add3A_126 = arith.addf %add3A_124, %slice3A_125 : vector<512x128xf32>
    %lt3A_127 = arith.cmpf olt, %add3A_126, %select_n3A_110 : vector<512x128xf32>
    %select_n3A_128 = arith.select %lt3A_127, %add3A_126, %select_n3A_110 : vector<512x128xi1>, vector<512x128xf32>
    %jit3A_129 = arith.constant 8 : i32
    %broadcast_in_dim3A_130 = vector.broadcast %jit3A_129 : i32 to vector<512x128xi32>
    %select_n3A_131 = arith.select %lt3A_127, %broadcast_in_dim3A_130, %select_n3A_113 : vector<512x128xi1>, vector<512x128xi32>
    %get3A_132 = arith.constant 9 : index
    %get3A_133 = arith.constant 0 : index
    %get3A_134 = vector.load %arg5[%get3A_132, %get3A_133] : memref<64x128xf32, #tpu.memory_space<vmem>>, vector<1x128xf32>
    %add3A_135 = vector.broadcast %broadcast_in_dim3A : vector<512x1xf32> to vector<512x128xf32>
    %add3A_136 = vector.broadcast %get3A_134 : vector<1x128xf32> to vector<512x128xf32>
    %add3A_137 = arith.addf %add3A_135, %add3A_136 : vector<512x128xf32>
    %slice3A_138 = vector.extract_strided_slice %dot_general3A_118 {offsets = [0, 128], sizes = [512, 128], strides = [1, 1]} : vector<512x1024xf32> to vector<512x128xf32>
    %add3A_139 = arith.addf %add3A_137, %slice3A_138 : vector<512x128xf32>
    %lt3A_140 = arith.cmpf olt, %add3A_139, %select_n3A_128 : vector<512x128xf32>
    %select_n3A_141 = arith.select %lt3A_140, %add3A_139, %select_n3A_128 : vector<512x128xi1>, vector<512x128xf32>
    %jit3A_142 = arith.constant 9 : i32
    %broadcast_in_dim3A_143 = vector.broadcast %jit3A_142 : i32 to vector<512x128xi32>
    %select_n3A_144 = arith.select %lt3A_140, %broadcast_in_dim3A_143, %select_n3A_131 : vector<512x128xi1>, vector<512x128xi32>
    %get3A_145 = arith.constant 10 : index
    %get3A_146 = arith.constant 0 : index
    %get3A_147 = vector.load %arg5[%get3A_145, %get3A_146] : memref<64x128xf32, #tpu.memory_space<vmem>>, vector<1x128xf32>
    %add3A_148 = vector.broadcast %broadcast_in_dim3A : vector<512x1xf32> to vector<512x128xf32>
    %add3A_149 = vector.broadcast %get3A_147 : vector<1x128xf32> to vector<512x128xf32>
    %add3A_150 = arith.addf %add3A_148, %add3A_149 : vector<512x128xf32>
    %slice3A_151 = vector.extract_strided_slice %dot_general3A_118 {offsets = [0, 256], sizes = [512, 128], strides = [1, 1]} : vector<512x1024xf32> to vector<512x128xf32>
    %add3A_152 = arith.addf %add3A_150, %slice3A_151 : vector<512x128xf32>
    %lt3A_153 = arith.cmpf olt, %add3A_152, %select_n3A_141 : vector<512x128xf32>
    %select_n3A_154 = arith.select %lt3A_153, %add3A_152, %select_n3A_141 : vector<512x128xi1>, vector<512x128xf32>
    %jit3A_155 = arith.constant 10 : i32
    %broadcast_in_dim3A_156 = vector.broadcast %jit3A_155 : i32 to vector<512x128xi32>
    %select_n3A_157 = arith.select %lt3A_153, %broadcast_in_dim3A_156, %select_n3A_144 : vector<512x128xi1>, vector<512x128xi32>
    %get3A_158 = arith.constant 11 : index
    %get3A_159 = arith.constant 0 : index
    %get3A_160 = vector.load %arg5[%get3A_158, %get3A_159] : memref<64x128xf32, #tpu.memory_space<vmem>>, vector<1x128xf32>
    %add3A_161 = vector.broadcast %broadcast_in_dim3A : vector<512x1xf32> to vector<512x128xf32>
    %add3A_162 = vector.broadcast %get3A_160 : vector<1x128xf32> to vector<512x128xf32>
    %add3A_163 = arith.addf %add3A_161, %add3A_162 : vector<512x128xf32>
    %slice3A_164 = vector.extract_strided_slice %dot_general3A_118 {offsets = [0, 384], sizes = [512, 128], strides = [1, 1]} : vector<512x1024xf32> to vector<512x128xf32>
    %add3A_165 = arith.addf %add3A_163, %slice3A_164 : vector<512x128xf32>
    %lt3A_166 = arith.cmpf olt, %add3A_165, %select_n3A_154 : vector<512x128xf32>
    %select_n3A_167 = arith.select %lt3A_166, %add3A_165, %select_n3A_154 : vector<512x128xi1>, vector<512x128xf32>
    %jit3A_168 = arith.constant 11 : i32
    %broadcast_in_dim3A_169 = vector.broadcast %jit3A_168 : i32 to vector<512x128xi32>
    %select_n3A_170 = arith.select %lt3A_166, %broadcast_in_dim3A_169, %select_n3A_157 : vector<512x128xi1>, vector<512x128xi32>
    %get3A_171 = arith.constant 12 : index
    %get3A_172 = arith.constant 0 : index
    %get3A_173 = vector.load %arg5[%get3A_171, %get3A_172] : memref<64x128xf32, #tpu.memory_space<vmem>>, vector<1x128xf32>
    %add3A_174 = vector.broadcast %broadcast_in_dim3A : vector<512x1xf32> to vector<512x128xf32>
    %add3A_175 = vector.broadcast %get3A_173 : vector<1x128xf32> to vector<512x128xf32>
    %add3A_176 = arith.addf %add3A_174, %add3A_175 : vector<512x128xf32>
    %slice3A_177 = vector.extract_strided_slice %dot_general3A_118 {offsets = [0, 512], sizes = [512, 128], strides = [1, 1]} : vector<512x1024xf32> to vector<512x128xf32>
    %add3A_178 = arith.addf %add3A_176, %slice3A_177 : vector<512x128xf32>
    %lt3A_179 = arith.cmpf olt, %add3A_178, %select_n3A_167 : vector<512x128xf32>
    %select_n3A_180 = arith.select %lt3A_179, %add3A_178, %select_n3A_167 : vector<512x128xi1>, vector<512x128xf32>
    %jit3A_181 = arith.constant 12 : i32
    %broadcast_in_dim3A_182 = vector.broadcast %jit3A_181 : i32 to vector<512x128xi32>
    %select_n3A_183 = arith.select %lt3A_179, %broadcast_in_dim3A_182, %select_n3A_170 : vector<512x128xi1>, vector<512x128xi32>
    %get3A_184 = arith.constant 13 : index
    %get3A_185 = arith.constant 0 : index
    %get3A_186 = vector.load %arg5[%get3A_184, %get3A_185] : memref<64x128xf32, #tpu.memory_space<vmem>>, vector<1x128xf32>
    %add3A_187 = vector.broadcast %broadcast_in_dim3A : vector<512x1xf32> to vector<512x128xf32>
    %add3A_188 = vector.broadcast %get3A_186 : vector<1x128xf32> to vector<512x128xf32>
    %add3A_189 = arith.addf %add3A_187, %add3A_188 : vector<512x128xf32>
    %slice3A_190 = vector.extract_strided_slice %dot_general3A_118 {offsets = [0, 640], sizes = [512, 128], strides = [1, 1]} : vector<512x1024xf32> to vector<512x128xf32>
    %add3A_191 = arith.addf %add3A_189, %slice3A_190 : vector<512x128xf32>
    %lt3A_192 = arith.cmpf olt, %add3A_191, %select_n3A_180 : vector<512x128xf32>
    %select_n3A_193 = arith.select %lt3A_192, %add3A_191, %select_n3A_180 : vector<512x128xi1>, vector<512x128xf32>
    %jit3A_194 = arith.constant 13 : i32
    %broadcast_in_dim3A_195 = vector.broadcast %jit3A_194 : i32 to vector<512x128xi32>
    %select_n3A_196 = arith.select %lt3A_192, %broadcast_in_dim3A_195, %select_n3A_183 : vector<512x128xi1>, vector<512x128xi32>
    %get3A_197 = arith.constant 14 : index
    %get3A_198 = arith.constant 0 : index
    %get3A_199 = vector.load %arg5[%get3A_197, %get3A_198] : memref<64x128xf32, #tpu.memory_space<vmem>>, vector<1x128xf32>
    %add3A_200 = vector.broadcast %broadcast_in_dim3A : vector<512x1xf32> to vector<512x128xf32>
    %add3A_201 = vector.broadcast %get3A_199 : vector<1x128xf32> to vector<512x128xf32>
    %add3A_202 = arith.addf %add3A_200, %add3A_201 : vector<512x128xf32>
    %slice3A_203 = vector.extract_strided_slice %dot_general3A_118 {offsets = [0, 768], sizes = [512, 128], strides = [1, 1]} : vector<512x1024xf32> to vector<512x128xf32>
    %add3A_204 = arith.addf %add3A_202, %slice3A_203 : vector<512x128xf32>
    %lt3A_205 = arith.cmpf olt, %add3A_204, %select_n3A_193 : vector<512x128xf32>
    %select_n3A_206 = arith.select %lt3A_205, %add3A_204, %select_n3A_193 : vector<512x128xi1>, vector<512x128xf32>
    %jit3A_207 = arith.constant 14 : i32
    %broadcast_in_dim3A_208 = vector.broadcast %jit3A_207 : i32 to vector<512x128xi32>
    %select_n3A_209 = arith.select %lt3A_205, %broadcast_in_dim3A_208, %select_n3A_196 : vector<512x128xi1>, vector<512x128xi32>
    %get3A_210 = arith.constant 15 : index
    %get3A_211 = arith.constant 0 : index
    %get3A_212 = vector.load %arg5[%get3A_210, %get3A_211] : memref<64x128xf32, #tpu.memory_space<vmem>>, vector<1x128xf32>
    %add3A_213 = vector.broadcast %broadcast_in_dim3A : vector<512x1xf32> to vector<512x128xf32>
    %add3A_214 = vector.broadcast %get3A_212 : vector<1x128xf32> to vector<512x128xf32>
    %add3A_215 = arith.addf %add3A_213, %add3A_214 : vector<512x128xf32>
    %slice3A_216 = vector.extract_strided_slice %dot_general3A_118 {offsets = [0, 896], sizes = [512, 128], strides = [1, 1]} : vector<512x1024xf32> to vector<512x128xf32>
    %add3A_217 = arith.addf %add3A_215, %slice3A_216 : vector<512x128xf32>
    %lt3A_218 = arith.cmpf olt, %add3A_217, %select_n3A_206 : vector<512x128xf32>
    %select_n3A_219 = arith.select %lt3A_218, %add3A_217, %select_n3A_206 : vector<512x128xi1>, vector<512x128xf32>
    %jit3A_220 = arith.constant 15 : i32
    %broadcast_in_dim3A_221 = vector.broadcast %jit3A_220 : i32 to vector<512x128xi32>
    %select_n3A_222 = arith.select %lt3A_218, %broadcast_in_dim3A_221, %select_n3A_209 : vector<512x128xi1>, vector<512x128xi32>
    %get3A_223 = arith.constant 2048 : index
    %get3A_224 = arith.constant 0 : index
    %get3A_225 = vector.load %arg2[%get3A_223, %get3A_224] : memref<8192x256xf32, #tpu.memory_space<vmem>>, vector<1024x256xf32>
    %dot_general3A_226 = arith.constant dense<0.000000e+00> : vector<512x1024xf32>
    %dot_general3A_227 = tpu.matmul %mul3A_5, %get3A_225, %dot_general3A_226 {dimension_numbers = #tpu.dot_dimension_numbers<[1], [1], [0], [0], [0, 0, 1, 0], [], []>, transpose_lhs_hint = false} : vector<512x256xf32>, vector<1024x256xf32>, vector<512x1024xf32> -> vector<512x1024xf32>
    %get3A_228 = arith.constant 16 : index
    %get3A_229 = arith.constant 0 : index
    %get3A_230 = vector.load %arg5[%get3A_228, %get3A_229] : memref<64x128xf32, #tpu.memory_space<vmem>>, vector<1x128xf32>
    %add3A_231 = vector.broadcast %broadcast_in_dim3A : vector<512x1xf32> to vector<512x128xf32>
    %add3A_232 = vector.broadcast %get3A_230 : vector<1x128xf32> to vector<512x128xf32>
    %add3A_233 = arith.addf %add3A_231, %add3A_232 : vector<512x128xf32>
    %slice3A_234 = vector.extract_strided_slice %dot_general3A_227 {offsets = [0, 0], sizes = [512, 128], strides = [1, 1]} : vector<512x1024xf32> to vector<512x128xf32>
    %add3A_235 = arith.addf %add3A_233, %slice3A_234 : vector<512x128xf32>
    %lt3A_236 = arith.cmpf olt, %add3A_235, %select_n3A_219 : vector<512x128xf32>
    %select_n3A_237 = arith.select %lt3A_236, %add3A_235, %select_n3A_219 : vector<512x128xi1>, vector<512x128xf32>
    %jit3A_238 = arith.constant 16 : i32
    %broadcast_in_dim3A_239 = vector.broadcast %jit3A_238 : i32 to vector<512x128xi32>
    %select_n3A_240 = arith.select %lt3A_236, %broadcast_in_dim3A_239, %select_n3A_222 : vector<512x128xi1>, vector<512x128xi32>
    %get3A_241 = arith.constant 17 : index
    %get3A_242 = arith.constant 0 : index
    %get3A_243 = vector.load %arg5[%get3A_241, %get3A_242] : memref<64x128xf32, #tpu.memory_space<vmem>>, vector<1x128xf32>
    %add3A_244 = vector.broadcast %broadcast_in_dim3A : vector<512x1xf32> to vector<512x128xf32>
    %add3A_245 = vector.broadcast %get3A_243 : vector<1x128xf32> to vector<512x128xf32>
    %add3A_246 = arith.addf %add3A_244, %add3A_245 : vector<512x128xf32>
    %slice3A_247 = vector.extract_strided_slice %dot_general3A_227 {offsets = [0, 128], sizes = [512, 128], strides = [1, 1]} : vector<512x1024xf32> to vector<512x128xf32>
    %add3A_248 = arith.addf %add3A_246, %slice3A_247 : vector<512x128xf32>
    %lt3A_249 = arith.cmpf olt, %add3A_248, %select_n3A_237 : vector<512x128xf32>
    %select_n3A_250 = arith.select %lt3A_249, %add3A_248, %select_n3A_237 : vector<512x128xi1>, vector<512x128xf32>
    %jit3A_251 = arith.constant 17 : i32
    %broadcast_in_dim3A_252 = vector.broadcast %jit3A_251 : i32 to vector<512x128xi32>
    %select_n3A_253 = arith.select %lt3A_249, %broadcast_in_dim3A_252, %select_n3A_240 : vector<512x128xi1>, vector<512x128xi32>
    %get3A_254 = arith.constant 18 : index
    %get3A_255 = arith.constant 0 : index
    %get3A_256 = vector.load %arg5[%get3A_254, %get3A_255] : memref<64x128xf32, #tpu.memory_space<vmem>>, vector<1x128xf32>
    %add3A_257 = vector.broadcast %broadcast_in_dim3A : vector<512x1xf32> to vector<512x128xf32>
    %add3A_258 = vector.broadcast %get3A_256 : vector<1x128xf32> to vector<512x128xf32>
    %add3A_259 = arith.addf %add3A_257, %add3A_258 : vector<512x128xf32>
    %slice3A_260 = vector.extract_strided_slice %dot_general3A_227 {offsets = [0, 256], sizes = [512, 128], strides = [1, 1]} : vector<512x1024xf32> to vector<512x128xf32>
    %add3A_261 = arith.addf %add3A_259, %slice3A_260 : vector<512x128xf32>
    %lt3A_262 = arith.cmpf olt, %add3A_261, %select_n3A_250 : vector<512x128xf32>
    %select_n3A_263 = arith.select %lt3A_262, %add3A_261, %select_n3A_250 : vector<512x128xi1>, vector<512x128xf32>
    %jit3A_264 = arith.constant 18 : i32
    %broadcast_in_dim3A_265 = vector.broadcast %jit3A_264 : i32 to vector<512x128xi32>
    %select_n3A_266 = arith.select %lt3A_262, %broadcast_in_dim3A_265, %select_n3A_253 : vector<512x128xi1>, vector<512x128xi32>
    %get3A_267 = arith.constant 19 : index
    %get3A_268 = arith.constant 0 : index
    %get3A_269 = vector.load %arg5[%get3A_267, %get3A_268] : memref<64x128xf32, #tpu.memory_space<vmem>>, vector<1x128xf32>
    %add3A_270 = vector.broadcast %broadcast_in_dim3A : vector<512x1xf32> to vector<512x128xf32>
    %add3A_271 = vector.broadcast %get3A_269 : vector<1x128xf32> to vector<512x128xf32>
    %add3A_272 = arith.addf %add3A_270, %add3A_271 : vector<512x128xf32>
    %slice3A_273 = vector.extract_strided_slice %dot_general3A_227 {offsets = [0, 384], sizes = [512, 128], strides = [1, 1]} : vector<512x1024xf32> to vector<512x128xf32>
    %add3A_274 = arith.addf %add3A_272, %slice3A_273 : vector<512x128xf32>
    %lt3A_275 = arith.cmpf olt, %add3A_274, %select_n3A_263 : vector<512x128xf32>
    %select_n3A_276 = arith.select %lt3A_275, %add3A_274, %select_n3A_263 : vector<512x128xi1>, vector<512x128xf32>
    %jit3A_277 = arith.constant 19 : i32
    %broadcast_in_dim3A_278 = vector.broadcast %jit3A_277 : i32 to vector<512x128xi32>
    %select_n3A_279 = arith.select %lt3A_275, %broadcast_in_dim3A_278, %select_n3A_266 : vector<512x128xi1>, vector<512x128xi32>
    %get3A_280 = arith.constant 20 : index
    %get3A_281 = arith.constant 0 : index
    %get3A_282 = vector.load %arg5[%get3A_280, %get3A_281] : memref<64x128xf32, #tpu.memory_space<vmem>>, vector<1x128xf32>
    %add3A_283 = vector.broadcast %broadcast_in_dim3A : vector<512x1xf32> to vector<512x128xf32>
    %add3A_284 = vector.broadcast %get3A_282 : vector<1x128xf32> to vector<512x128xf32>
    %add3A_285 = arith.addf %add3A_283, %add3A_284 : vector<512x128xf32>
    %slice3A_286 = vector.extract_strided_slice %dot_general3A_227 {offsets = [0, 512], sizes = [512, 128], strides = [1, 1]} : vector<512x1024xf32> to vector<512x128xf32>
    %add3A_287 = arith.addf %add3A_285, %slice3A_286 : vector<512x128xf32>
    %lt3A_288 = arith.cmpf olt, %add3A_287, %select_n3A_276 : vector<512x128xf32>
    %select_n3A_289 = arith.select %lt3A_288, %add3A_287, %select_n3A_276 : vector<512x128xi1>, vector<512x128xf32>
    %jit3A_290 = arith.constant 20 : i32
    %broadcast_in_dim3A_291 = vector.broadcast %jit3A_290 : i32 to vector<512x128xi32>
    %select_n3A_292 = arith.select %lt3A_288, %broadcast_in_dim3A_291, %select_n3A_279 : vector<512x128xi1>, vector<512x128xi32>
    %get3A_293 = arith.constant 21 : index
    %get3A_294 = arith.constant 0 : index
    %get3A_295 = vector.load %arg5[%get3A_293, %get3A_294] : memref<64x128xf32, #tpu.memory_space<vmem>>, vector<1x128xf32>
    %add3A_296 = vector.broadcast %broadcast_in_dim3A : vector<512x1xf32> to vector<512x128xf32>
    %add3A_297 = vector.broadcast %get3A_295 : vector<1x128xf32> to vector<512x128xf32>
    %add3A_298 = arith.addf %add3A_296, %add3A_297 : vector<512x128xf32>
    %slice3A_299 = vector.extract_strided_slice %dot_general3A_227 {offsets = [0, 640], sizes = [512, 128], strides = [1, 1]} : vector<512x1024xf32> to vector<512x128xf32>
    %add3A_300 = arith.addf %add3A_298, %slice3A_299 : vector<512x128xf32>
    %lt3A_301 = arith.cmpf olt, %add3A_300, %select_n3A_289 : vector<512x128xf32>
    %select_n3A_302 = arith.select %lt3A_301, %add3A_300, %select_n3A_289 : vector<512x128xi1>, vector<512x128xf32>
    %jit3A_303 = arith.constant 21 : i32
    %broadcast_in_dim3A_304 = vector.broadcast %jit3A_303 : i32 to vector<512x128xi32>
    %select_n3A_305 = arith.select %lt3A_301, %broadcast_in_dim3A_304, %select_n3A_292 : vector<512x128xi1>, vector<512x128xi32>
    %get3A_306 = arith.constant 22 : index
    %get3A_307 = arith.constant 0 : index
    %get3A_308 = vector.load %arg5[%get3A_306, %get3A_307] : memref<64x128xf32, #tpu.memory_space<vmem>>, vector<1x128xf32>
    %add3A_309 = vector.broadcast %broadcast_in_dim3A : vector<512x1xf32> to vector<512x128xf32>
    %add3A_310 = vector.broadcast %get3A_308 : vector<1x128xf32> to vector<512x128xf32>
    %add3A_311 = arith.addf %add3A_309, %add3A_310 : vector<512x128xf32>
    %slice3A_312 = vector.extract_strided_slice %dot_general3A_227 {offsets = [0, 768], sizes = [512, 128], strides = [1, 1]} : vector<512x1024xf32> to vector<512x128xf32>
    %add3A_313 = arith.addf %add3A_311, %slice3A_312 : vector<512x128xf32>
    %lt3A_314 = arith.cmpf olt, %add3A_313, %select_n3A_302 : vector<512x128xf32>
    %select_n3A_315 = arith.select %lt3A_314, %add3A_313, %select_n3A_302 : vector<512x128xi1>, vector<512x128xf32>
    %jit3A_316 = arith.constant 22 : i32
    %broadcast_in_dim3A_317 = vector.broadcast %jit3A_316 : i32 to vector<512x128xi32>
    %select_n3A_318 = arith.select %lt3A_314, %broadcast_in_dim3A_317, %select_n3A_305 : vector<512x128xi1>, vector<512x128xi32>
    %get3A_319 = arith.constant 23 : index
    %get3A_320 = arith.constant 0 : index
    %get3A_321 = vector.load %arg5[%get3A_319, %get3A_320] : memref<64x128xf32, #tpu.memory_space<vmem>>, vector<1x128xf32>
    %add3A_322 = vector.broadcast %broadcast_in_dim3A : vector<512x1xf32> to vector<512x128xf32>
    %add3A_323 = vector.broadcast %get3A_321 : vector<1x128xf32> to vector<512x128xf32>
    %add3A_324 = arith.addf %add3A_322, %add3A_323 : vector<512x128xf32>
    %slice3A_325 = vector.extract_strided_slice %dot_general3A_227 {offsets = [0, 896], sizes = [512, 128], strides = [1, 1]} : vector<512x1024xf32> to vector<512x128xf32>
    %add3A_326 = arith.addf %add3A_324, %slice3A_325 : vector<512x128xf32>
    %lt3A_327 = arith.cmpf olt, %add3A_326, %select_n3A_315 : vector<512x128xf32>
    %select_n3A_328 = arith.select %lt3A_327, %add3A_326, %select_n3A_315 : vector<512x128xi1>, vector<512x128xf32>
    %jit3A_329 = arith.constant 23 : i32
    %broadcast_in_dim3A_330 = vector.broadcast %jit3A_329 : i32 to vector<512x128xi32>
    %select_n3A_331 = arith.select %lt3A_327, %broadcast_in_dim3A_330, %select_n3A_318 : vector<512x128xi1>, vector<512x128xi32>
    %get3A_332 = arith.constant 3072 : index
    %get3A_333 = arith.constant 0 : index
    %get3A_334 = vector.load %arg2[%get3A_332, %get3A_333] : memref<8192x256xf32, #tpu.memory_space<vmem>>, vector<1024x256xf32>
    %dot_general3A_335 = arith.constant dense<0.000000e+00> : vector<512x1024xf32>
    %dot_general3A_336 = tpu.matmul %mul3A_5, %get3A_334, %dot_general3A_335 {dimension_numbers = #tpu.dot_dimension_numbers<[1], [1], [0], [0], [0, 0, 1, 0], [], []>, transpose_lhs_hint = false} : vector<512x256xf32>, vector<1024x256xf32>, vector<512x1024xf32> -> vector<512x1024xf32>
    %get3A_337 = arith.constant 24 : index
    %get3A_338 = arith.constant 0 : index
    %get3A_339 = vector.load %arg5[%get3A_337, %get3A_338] : memref<64x128xf32, #tpu.memory_space<vmem>>, vector<1x128xf32>
    %add3A_340 = vector.broadcast %broadcast_in_dim3A : vector<512x1xf32> to vector<512x128xf32>
    %add3A_341 = vector.broadcast %get3A_339 : vector<1x128xf32> to vector<512x128xf32>
    %add3A_342 = arith.addf %add3A_340, %add3A_341 : vector<512x128xf32>
    %slice3A_343 = vector.extract_strided_slice %dot_general3A_336 {offsets = [0, 0], sizes = [512, 128], strides = [1, 1]} : vector<512x1024xf32> to vector<512x128xf32>
    %add3A_344 = arith.addf %add3A_342, %slice3A_343 : vector<512x128xf32>
    %lt3A_345 = arith.cmpf olt, %add3A_344, %select_n3A_328 : vector<512x128xf32>
    %select_n3A_346 = arith.select %lt3A_345, %add3A_344, %select_n3A_328 : vector<512x128xi1>, vector<512x128xf32>
    %jit3A_347 = arith.constant 24 : i32
    %broadcast_in_dim3A_348 = vector.broadcast %jit3A_347 : i32 to vector<512x128xi32>
    %select_n3A_349 = arith.select %lt3A_345, %broadcast_in_dim3A_348, %select_n3A_331 : vector<512x128xi1>, vector<512x128xi32>
    %get3A_350 = arith.constant 25 : index
    %get3A_351 = arith.constant 0 : index
    %get3A_352 = vector.load %arg5[%get3A_350, %get3A_351] : memref<64x128xf32, #tpu.memory_space<vmem>>, vector<1x128xf32>
    %add3A_353 = vector.broadcast %broadcast_in_dim3A : vector<512x1xf32> to vector<512x128xf32>
    %add3A_354 = vector.broadcast %get3A_352 : vector<1x128xf32> to vector<512x128xf32>
    %add3A_355 = arith.addf %add3A_353, %add3A_354 : vector<512x128xf32>
    %slice3A_356 = vector.extract_strided_slice %dot_general3A_336 {offsets = [0, 128], sizes = [512, 128], strides = [1, 1]} : vector<512x1024xf32> to vector<512x128xf32>
    %add3A_357 = arith.addf %add3A_355, %slice3A_356 : vector<512x128xf32>
    %lt3A_358 = arith.cmpf olt, %add3A_357, %select_n3A_346 : vector<512x128xf32>
    %select_n3A_359 = arith.select %lt3A_358, %add3A_357, %select_n3A_346 : vector<512x128xi1>, vector<512x128xf32>
    %jit3A_360 = arith.constant 25 : i32
    %broadcast_in_dim3A_361 = vector.broadcast %jit3A_360 : i32 to vector<512x128xi32>
    %select_n3A_362 = arith.select %lt3A_358, %broadcast_in_dim3A_361, %select_n3A_349 : vector<512x128xi1>, vector<512x128xi32>
    %get3A_363 = arith.constant 26 : index
    %get3A_364 = arith.constant 0 : index
    %get3A_365 = vector.load %arg5[%get3A_363, %get3A_364] : memref<64x128xf32, #tpu.memory_space<vmem>>, vector<1x128xf32>
    %add3A_366 = vector.broadcast %broadcast_in_dim3A : vector<512x1xf32> to vector<512x128xf32>
    %add3A_367 = vector.broadcast %get3A_365 : vector<1x128xf32> to vector<512x128xf32>
    %add3A_368 = arith.addf %add3A_366, %add3A_367 : vector<512x128xf32>
    %slice3A_369 = vector.extract_strided_slice %dot_general3A_336 {offsets = [0, 256], sizes = [512, 128], strides = [1, 1]} : vector<512x1024xf32> to vector<512x128xf32>
    %add3A_370 = arith.addf %add3A_368, %slice3A_369 : vector<512x128xf32>
    %lt3A_371 = arith.cmpf olt, %add3A_370, %select_n3A_359 : vector<512x128xf32>
    %select_n3A_372 = arith.select %lt3A_371, %add3A_370, %select_n3A_359 : vector<512x128xi1>, vector<512x128xf32>
    %jit3A_373 = arith.constant 26 : i32
    %broadcast_in_dim3A_374 = vector.broadcast %jit3A_373 : i32 to vector<512x128xi32>
    %select_n3A_375 = arith.select %lt3A_371, %broadcast_in_dim3A_374, %select_n3A_362 : vector<512x128xi1>, vector<512x128xi32>
    %get3A_376 = arith.constant 27 : index
    %get3A_377 = arith.constant 0 : index
    %get3A_378 = vector.load %arg5[%get3A_376, %get3A_377] : memref<64x128xf32, #tpu.memory_space<vmem>>, vector<1x128xf32>
    %add3A_379 = vector.broadcast %broadcast_in_dim3A : vector<512x1xf32> to vector<512x128xf32>
    %add3A_380 = vector.broadcast %get3A_378 : vector<1x128xf32> to vector<512x128xf32>
    %add3A_381 = arith.addf %add3A_379, %add3A_380 : vector<512x128xf32>
    %slice3A_382 = vector.extract_strided_slice %dot_general3A_336 {offsets = [0, 384], sizes = [512, 128], strides = [1, 1]} : vector<512x1024xf32> to vector<512x128xf32>
    %add3A_383 = arith.addf %add3A_381, %slice3A_382 : vector<512x128xf32>
    %lt3A_384 = arith.cmpf olt, %add3A_383, %select_n3A_372 : vector<512x128xf32>
    %select_n3A_385 = arith.select %lt3A_384, %add3A_383, %select_n3A_372 : vector<512x128xi1>, vector<512x128xf32>
    %jit3A_386 = arith.constant 27 : i32
    %broadcast_in_dim3A_387 = vector.broadcast %jit3A_386 : i32 to vector<512x128xi32>
    %select_n3A_388 = arith.select %lt3A_384, %broadcast_in_dim3A_387, %select_n3A_375 : vector<512x128xi1>, vector<512x128xi32>
    %get3A_389 = arith.constant 28 : index
    %get3A_390 = arith.constant 0 : index
    %get3A_391 = vector.load %arg5[%get3A_389, %get3A_390] : memref<64x128xf32, #tpu.memory_space<vmem>>, vector<1x128xf32>
    %add3A_392 = vector.broadcast %broadcast_in_dim3A : vector<512x1xf32> to vector<512x128xf32>
    %add3A_393 = vector.broadcast %get3A_391 : vector<1x128xf32> to vector<512x128xf32>
    %add3A_394 = arith.addf %add3A_392, %add3A_393 : vector<512x128xf32>
    %slice3A_395 = vector.extract_strided_slice %dot_general3A_336 {offsets = [0, 512], sizes = [512, 128], strides = [1, 1]} : vector<512x1024xf32> to vector<512x128xf32>
    %add3A_396 = arith.addf %add3A_394, %slice3A_395 : vector<512x128xf32>
    %lt3A_397 = arith.cmpf olt, %add3A_396, %select_n3A_385 : vector<512x128xf32>
    %select_n3A_398 = arith.select %lt3A_397, %add3A_396, %select_n3A_385 : vector<512x128xi1>, vector<512x128xf32>
    %jit3A_399 = arith.constant 28 : i32
    %broadcast_in_dim3A_400 = vector.broadcast %jit3A_399 : i32 to vector<512x128xi32>
    %select_n3A_401 = arith.select %lt3A_397, %broadcast_in_dim3A_400, %select_n3A_388 : vector<512x128xi1>, vector<512x128xi32>
    %get3A_402 = arith.constant 29 : index
    %get3A_403 = arith.constant 0 : index
    %get3A_404 = vector.load %arg5[%get3A_402, %get3A_403] : memref<64x128xf32, #tpu.memory_space<vmem>>, vector<1x128xf32>
    %add3A_405 = vector.broadcast %broadcast_in_dim3A : vector<512x1xf32> to vector<512x128xf32>
    %add3A_406 = vector.broadcast %get3A_404 : vector<1x128xf32> to vector<512x128xf32>
    %add3A_407 = arith.addf %add3A_405, %add3A_406 : vector<512x128xf32>
    %slice3A_408 = vector.extract_strided_slice %dot_general3A_336 {offsets = [0, 640], sizes = [512, 128], strides = [1, 1]} : vector<512x1024xf32> to vector<512x128xf32>
    %add3A_409 = arith.addf %add3A_407, %slice3A_408 : vector<512x128xf32>
    %lt3A_410 = arith.cmpf olt, %add3A_409, %select_n3A_398 : vector<512x128xf32>
    %select_n3A_411 = arith.select %lt3A_410, %add3A_409, %select_n3A_398 : vector<512x128xi1>, vector<512x128xf32>
    %jit3A_412 = arith.constant 29 : i32
    %broadcast_in_dim3A_413 = vector.broadcast %jit3A_412 : i32 to vector<512x128xi32>
    %select_n3A_414 = arith.select %lt3A_410, %broadcast_in_dim3A_413, %select_n3A_401 : vector<512x128xi1>, vector<512x128xi32>
    %get3A_415 = arith.constant 30 : index
    %get3A_416 = arith.constant 0 : index
    %get3A_417 = vector.load %arg5[%get3A_415, %get3A_416] : memref<64x128xf32, #tpu.memory_space<vmem>>, vector<1x128xf32>
    %add3A_418 = vector.broadcast %broadcast_in_dim3A : vector<512x1xf32> to vector<512x128xf32>
    %add3A_419 = vector.broadcast %get3A_417 : vector<1x128xf32> to vector<512x128xf32>
    %add3A_420 = arith.addf %add3A_418, %add3A_419 : vector<512x128xf32>
    %slice3A_421 = vector.extract_strided_slice %dot_general3A_336 {offsets = [0, 768], sizes = [512, 128], strides = [1, 1]} : vector<512x1024xf32> to vector<512x128xf32>
    %add3A_422 = arith.addf %add3A_420, %slice3A_421 : vector<512x128xf32>
    %lt3A_423 = arith.cmpf olt, %add3A_422, %select_n3A_411 : vector<512x128xf32>
    %select_n3A_424 = arith.select %lt3A_423, %add3A_422, %select_n3A_411 : vector<512x128xi1>, vector<512x128xf32>
    %jit3A_425 = arith.constant 30 : i32
    %broadcast_in_dim3A_426 = vector.broadcast %jit3A_425 : i32 to vector<512x128xi32>
    %select_n3A_427 = arith.select %lt3A_423, %broadcast_in_dim3A_426, %select_n3A_414 : vector<512x128xi1>, vector<512x128xi32>
    %get3A_428 = arith.constant 31 : index
    %get3A_429 = arith.constant 0 : index
    %get3A_430 = vector.load %arg5[%get3A_428, %get3A_429] : memref<64x128xf32, #tpu.memory_space<vmem>>, vector<1x128xf32>
    %add3A_431 = vector.broadcast %broadcast_in_dim3A : vector<512x1xf32> to vector<512x128xf32>
    %add3A_432 = vector.broadcast %get3A_430 : vector<1x128xf32> to vector<512x128xf32>
    %add3A_433 = arith.addf %add3A_431, %add3A_432 : vector<512x128xf32>
    %slice3A_434 = vector.extract_strided_slice %dot_general3A_336 {offsets = [0, 896], sizes = [512, 128], strides = [1, 1]} : vector<512x1024xf32> to vector<512x128xf32>
    %add3A_435 = arith.addf %add3A_433, %slice3A_434 : vector<512x128xf32>
    %lt3A_436 = arith.cmpf olt, %add3A_435, %select_n3A_424 : vector<512x128xf32>
    %select_n3A_437 = arith.select %lt3A_436, %add3A_435, %select_n3A_424 : vector<512x128xi1>, vector<512x128xf32>
    %jit3A_438 = arith.constant 31 : i32
    %broadcast_in_dim3A_439 = vector.broadcast %jit3A_438 : i32 to vector<512x128xi32>
    %select_n3A_440 = arith.select %lt3A_436, %broadcast_in_dim3A_439, %select_n3A_427 : vector<512x128xi1>, vector<512x128xi32>
    %get3A_441 = arith.constant 4096 : index
    %get3A_442 = arith.constant 0 : index
    %get3A_443 = vector.load %arg2[%get3A_441, %get3A_442] : memref<8192x256xf32, #tpu.memory_space<vmem>>, vector<1024x256xf32>
    %dot_general3A_444 = arith.constant dense<0.000000e+00> : vector<512x1024xf32>
    %dot_general3A_445 = tpu.matmul %mul3A_5, %get3A_443, %dot_general3A_444 {dimension_numbers = #tpu.dot_dimension_numbers<[1], [1], [0], [0], [0, 0, 1, 0], [], []>, transpose_lhs_hint = false} : vector<512x256xf32>, vector<1024x256xf32>, vector<512x1024xf32> -> vector<512x1024xf32>
    %get3A_446 = arith.constant 32 : index
    %get3A_447 = arith.constant 0 : index
    %get3A_448 = vector.load %arg5[%get3A_446, %get3A_447] : memref<64x128xf32, #tpu.memory_space<vmem>>, vector<1x128xf32>
    %add3A_449 = vector.broadcast %broadcast_in_dim3A : vector<512x1xf32> to vector<512x128xf32>
    %add3A_450 = vector.broadcast %get3A_448 : vector<1x128xf32> to vector<512x128xf32>
    %add3A_451 = arith.addf %add3A_449, %add3A_450 : vector<512x128xf32>
    %slice3A_452 = vector.extract_strided_slice %dot_general3A_445 {offsets = [0, 0], sizes = [512, 128], strides = [1, 1]} : vector<512x1024xf32> to vector<512x128xf32>
    %add3A_453 = arith.addf %add3A_451, %slice3A_452 : vector<512x128xf32>
    %lt3A_454 = arith.cmpf olt, %add3A_453, %select_n3A_437 : vector<512x128xf32>
    %select_n3A_455 = arith.select %lt3A_454, %add3A_453, %select_n3A_437 : vector<512x128xi1>, vector<512x128xf32>
    %jit3A_456 = arith.constant 32 : i32
    %broadcast_in_dim3A_457 = vector.broadcast %jit3A_456 : i32 to vector<512x128xi32>
    %select_n3A_458 = arith.select %lt3A_454, %broadcast_in_dim3A_457, %select_n3A_440 : vector<512x128xi1>, vector<512x128xi32>
    %get3A_459 = arith.constant 33 : index
    %get3A_460 = arith.constant 0 : index
    %get3A_461 = vector.load %arg5[%get3A_459, %get3A_460] : memref<64x128xf32, #tpu.memory_space<vmem>>, vector<1x128xf32>
    %add3A_462 = vector.broadcast %broadcast_in_dim3A : vector<512x1xf32> to vector<512x128xf32>
    %add3A_463 = vector.broadcast %get3A_461 : vector<1x128xf32> to vector<512x128xf32>
    %add3A_464 = arith.addf %add3A_462, %add3A_463 : vector<512x128xf32>
    %slice3A_465 = vector.extract_strided_slice %dot_general3A_445 {offsets = [0, 128], sizes = [512, 128], strides = [1, 1]} : vector<512x1024xf32> to vector<512x128xf32>
    %add3A_466 = arith.addf %add3A_464, %slice3A_465 : vector<512x128xf32>
    %lt3A_467 = arith.cmpf olt, %add3A_466, %select_n3A_455 : vector<512x128xf32>
    %select_n3A_468 = arith.select %lt3A_467, %add3A_466, %select_n3A_455 : vector<512x128xi1>, vector<512x128xf32>
    %jit3A_469 = arith.constant 33 : i32
    %broadcast_in_dim3A_470 = vector.broadcast %jit3A_469 : i32 to vector<512x128xi32>
    %select_n3A_471 = arith.select %lt3A_467, %broadcast_in_dim3A_470, %select_n3A_458 : vector<512x128xi1>, vector<512x128xi32>
    %get3A_472 = arith.constant 34 : index
    %get3A_473 = arith.constant 0 : index
    %get3A_474 = vector.load %arg5[%get3A_472, %get3A_473] : memref<64x128xf32, #tpu.memory_space<vmem>>, vector<1x128xf32>
    %add3A_475 = vector.broadcast %broadcast_in_dim3A : vector<512x1xf32> to vector<512x128xf32>
    %add3A_476 = vector.broadcast %get3A_474 : vector<1x128xf32> to vector<512x128xf32>
    %add3A_477 = arith.addf %add3A_475, %add3A_476 : vector<512x128xf32>
    %slice3A_478 = vector.extract_strided_slice %dot_general3A_445 {offsets = [0, 256], sizes = [512, 128], strides = [1, 1]} : vector<512x1024xf32> to vector<512x128xf32>
    %add3A_479 = arith.addf %add3A_477, %slice3A_478 : vector<512x128xf32>
    %lt3A_480 = arith.cmpf olt, %add3A_479, %select_n3A_468 : vector<512x128xf32>
    %select_n3A_481 = arith.select %lt3A_480, %add3A_479, %select_n3A_468 : vector<512x128xi1>, vector<512x128xf32>
    %jit3A_482 = arith.constant 34 : i32
    %broadcast_in_dim3A_483 = vector.broadcast %jit3A_482 : i32 to vector<512x128xi32>
    %select_n3A_484 = arith.select %lt3A_480, %broadcast_in_dim3A_483, %select_n3A_471 : vector<512x128xi1>, vector<512x128xi32>
    %get3A_485 = arith.constant 35 : index
    %get3A_486 = arith.constant 0 : index
    %get3A_487 = vector.load %arg5[%get3A_485, %get3A_486] : memref<64x128xf32, #tpu.memory_space<vmem>>, vector<1x128xf32>
    %add3A_488 = vector.broadcast %broadcast_in_dim3A : vector<512x1xf32> to vector<512x128xf32>
    %add3A_489 = vector.broadcast %get3A_487 : vector<1x128xf32> to vector<512x128xf32>
    %add3A_490 = arith.addf %add3A_488, %add3A_489 : vector<512x128xf32>
    %slice3A_491 = vector.extract_strided_slice %dot_general3A_445 {offsets = [0, 384], sizes = [512, 128], strides = [1, 1]} : vector<512x1024xf32> to vector<512x128xf32>
    %add3A_492 = arith.addf %add3A_490, %slice3A_491 : vector<512x128xf32>
    %lt3A_493 = arith.cmpf olt, %add3A_492, %select_n3A_481 : vector<512x128xf32>
    %select_n3A_494 = arith.select %lt3A_493, %add3A_492, %select_n3A_481 : vector<512x128xi1>, vector<512x128xf32>
    %jit3A_495 = arith.constant 35 : i32
    %broadcast_in_dim3A_496 = vector.broadcast %jit3A_495 : i32 to vector<512x128xi32>
    %select_n3A_497 = arith.select %lt3A_493, %broadcast_in_dim3A_496, %select_n3A_484 : vector<512x128xi1>, vector<512x128xi32>
    %get3A_498 = arith.constant 36 : index
    %get3A_499 = arith.constant 0 : index
    %get3A_500 = vector.load %arg5[%get3A_498, %get3A_499] : memref<64x128xf32, #tpu.memory_space<vmem>>, vector<1x128xf32>
    %add3A_501 = vector.broadcast %broadcast_in_dim3A : vector<512x1xf32> to vector<512x128xf32>
    %add3A_502 = vector.broadcast %get3A_500 : vector<1x128xf32> to vector<512x128xf32>
    %add3A_503 = arith.addf %add3A_501, %add3A_502 : vector<512x128xf32>
    %slice3A_504 = vector.extract_strided_slice %dot_general3A_445 {offsets = [0, 512], sizes = [512, 128], strides = [1, 1]} : vector<512x1024xf32> to vector<512x128xf32>
    %add3A_505 = arith.addf %add3A_503, %slice3A_504 : vector<512x128xf32>
    %lt3A_506 = arith.cmpf olt, %add3A_505, %select_n3A_494 : vector<512x128xf32>
    %select_n3A_507 = arith.select %lt3A_506, %add3A_505, %select_n3A_494 : vector<512x128xi1>, vector<512x128xf32>
    %jit3A_508 = arith.constant 36 : i32
    %broadcast_in_dim3A_509 = vector.broadcast %jit3A_508 : i32 to vector<512x128xi32>
    %select_n3A_510 = arith.select %lt3A_506, %broadcast_in_dim3A_509, %select_n3A_497 : vector<512x128xi1>, vector<512x128xi32>
    %get3A_511 = arith.constant 37 : index
    %get3A_512 = arith.constant 0 : index
    %get3A_513 = vector.load %arg5[%get3A_511, %get3A_512] : memref<64x128xf32, #tpu.memory_space<vmem>>, vector<1x128xf32>
    %add3A_514 = vector.broadcast %broadcast_in_dim3A : vector<512x1xf32> to vector<512x128xf32>
    %add3A_515 = vector.broadcast %get3A_513 : vector<1x128xf32> to vector<512x128xf32>
    %add3A_516 = arith.addf %add3A_514, %add3A_515 : vector<512x128xf32>
    %slice3A_517 = vector.extract_strided_slice %dot_general3A_445 {offsets = [0, 640], sizes = [512, 128], strides = [1, 1]} : vector<512x1024xf32> to vector<512x128xf32>
    %add3A_518 = arith.addf %add3A_516, %slice3A_517 : vector<512x128xf32>
    %lt3A_519 = arith.cmpf olt, %add3A_518, %select_n3A_507 : vector<512x128xf32>
    %select_n3A_520 = arith.select %lt3A_519, %add3A_518, %select_n3A_507 : vector<512x128xi1>, vector<512x128xf32>
    %jit3A_521 = arith.constant 37 : i32
    %broadcast_in_dim3A_522 = vector.broadcast %jit3A_521 : i32 to vector<512x128xi32>
    %select_n3A_523 = arith.select %lt3A_519, %broadcast_in_dim3A_522, %select_n3A_510 : vector<512x128xi1>, vector<512x128xi32>
    %get3A_524 = arith.constant 38 : index
    %get3A_525 = arith.constant 0 : index
    %get3A_526 = vector.load %arg5[%get3A_524, %get3A_525] : memref<64x128xf32, #tpu.memory_space<vmem>>, vector<1x128xf32>
    %add3A_527 = vector.broadcast %broadcast_in_dim3A : vector<512x1xf32> to vector<512x128xf32>
    %add3A_528 = vector.broadcast %get3A_526 : vector<1x128xf32> to vector<512x128xf32>
    %add3A_529 = arith.addf %add3A_527, %add3A_528 : vector<512x128xf32>
    %slice3A_530 = vector.extract_strided_slice %dot_general3A_445 {offsets = [0, 768], sizes = [512, 128], strides = [1, 1]} : vector<512x1024xf32> to vector<512x128xf32>
    %add3A_531 = arith.addf %add3A_529, %slice3A_530 : vector<512x128xf32>
    %lt3A_532 = arith.cmpf olt, %add3A_531, %select_n3A_520 : vector<512x128xf32>
    %select_n3A_533 = arith.select %lt3A_532, %add3A_531, %select_n3A_520 : vector<512x128xi1>, vector<512x128xf32>
    %jit3A_534 = arith.constant 38 : i32
    %broadcast_in_dim3A_535 = vector.broadcast %jit3A_534 : i32 to vector<512x128xi32>
    %select_n3A_536 = arith.select %lt3A_532, %broadcast_in_dim3A_535, %select_n3A_523 : vector<512x128xi1>, vector<512x128xi32>
    %get3A_537 = arith.constant 39 : index
    %get3A_538 = arith.constant 0 : index
    %get3A_539 = vector.load %arg5[%get3A_537, %get3A_538] : memref<64x128xf32, #tpu.memory_space<vmem>>, vector<1x128xf32>
    %add3A_540 = vector.broadcast %broadcast_in_dim3A : vector<512x1xf32> to vector<512x128xf32>
    %add3A_541 = vector.broadcast %get3A_539 : vector<1x128xf32> to vector<512x128xf32>
    %add3A_542 = arith.addf %add3A_540, %add3A_541 : vector<512x128xf32>
    %slice3A_543 = vector.extract_strided_slice %dot_general3A_445 {offsets = [0, 896], sizes = [512, 128], strides = [1, 1]} : vector<512x1024xf32> to vector<512x128xf32>
    %add3A_544 = arith.addf %add3A_542, %slice3A_543 : vector<512x128xf32>
    %lt3A_545 = arith.cmpf olt, %add3A_544, %select_n3A_533 : vector<512x128xf32>
    %select_n3A_546 = arith.select %lt3A_545, %add3A_544, %select_n3A_533 : vector<512x128xi1>, vector<512x128xf32>
    %jit3A_547 = arith.constant 39 : i32
    %broadcast_in_dim3A_548 = vector.broadcast %jit3A_547 : i32 to vector<512x128xi32>
    %select_n3A_549 = arith.select %lt3A_545, %broadcast_in_dim3A_548, %select_n3A_536 : vector<512x128xi1>, vector<512x128xi32>
    %get3A_550 = arith.constant 5120 : index
    %get3A_551 = arith.constant 0 : index
    %get3A_552 = vector.load %arg2[%get3A_550, %get3A_551] : memref<8192x256xf32, #tpu.memory_space<vmem>>, vector<1024x256xf32>
    %dot_general3A_553 = arith.constant dense<0.000000e+00> : vector<512x1024xf32>
    %dot_general3A_554 = tpu.matmul %mul3A_5, %get3A_552, %dot_general3A_553 {dimension_numbers = #tpu.dot_dimension_numbers<[1], [1], [0], [0], [0, 0, 1, 0], [], []>, transpose_lhs_hint = false} : vector<512x256xf32>, vector<1024x256xf32>, vector<512x1024xf32> -> vector<512x1024xf32>
    %get3A_555 = arith.constant 40 : index
    %get3A_556 = arith.constant 0 : index
    %get3A_557 = vector.load %arg5[%get3A_555, %get3A_556] : memref<64x128xf32, #tpu.memory_space<vmem>>, vector<1x128xf32>
    %add3A_558 = vector.broadcast %broadcast_in_dim3A : vector<512x1xf32> to vector<512x128xf32>
    %add3A_559 = vector.broadcast %get3A_557 : vector<1x128xf32> to vector<512x128xf32>
    %add3A_560 = arith.addf %add3A_558, %add3A_559 : vector<512x128xf32>
    %slice3A_561 = vector.extract_strided_slice %dot_general3A_554 {offsets = [0, 0], sizes = [512, 128], strides = [1, 1]} : vector<512x1024xf32> to vector<512x128xf32>
    %add3A_562 = arith.addf %add3A_560, %slice3A_561 : vector<512x128xf32>
    %lt3A_563 = arith.cmpf olt, %add3A_562, %select_n3A_546 : vector<512x128xf32>
    %select_n3A_564 = arith.select %lt3A_563, %add3A_562, %select_n3A_546 : vector<512x128xi1>, vector<512x128xf32>
    %jit3A_565 = arith.constant 40 : i32
    %broadcast_in_dim3A_566 = vector.broadcast %jit3A_565 : i32 to vector<512x128xi32>
    %select_n3A_567 = arith.select %lt3A_563, %broadcast_in_dim3A_566, %select_n3A_549 : vector<512x128xi1>, vector<512x128xi32>
    %get3A_568 = arith.constant 41 : index
    %get3A_569 = arith.constant 0 : index
    %get3A_570 = vector.load %arg5[%get3A_568, %get3A_569] : memref<64x128xf32, #tpu.memory_space<vmem>>, vector<1x128xf32>
    %add3A_571 = vector.broadcast %broadcast_in_dim3A : vector<512x1xf32> to vector<512x128xf32>
    %add3A_572 = vector.broadcast %get3A_570 : vector<1x128xf32> to vector<512x128xf32>
    %add3A_573 = arith.addf %add3A_571, %add3A_572 : vector<512x128xf32>
    %slice3A_574 = vector.extract_strided_slice %dot_general3A_554 {offsets = [0, 128], sizes = [512, 128], strides = [1, 1]} : vector<512x1024xf32> to vector<512x128xf32>
    %add3A_575 = arith.addf %add3A_573, %slice3A_574 : vector<512x128xf32>
    %lt3A_576 = arith.cmpf olt, %add3A_575, %select_n3A_564 : vector<512x128xf32>
    %select_n3A_577 = arith.select %lt3A_576, %add3A_575, %select_n3A_564 : vector<512x128xi1>, vector<512x128xf32>
    %jit3A_578 = arith.constant 41 : i32
    %broadcast_in_dim3A_579 = vector.broadcast %jit3A_578 : i32 to vector<512x128xi32>
    %select_n3A_580 = arith.select %lt3A_576, %broadcast_in_dim3A_579, %select_n3A_567 : vector<512x128xi1>, vector<512x128xi32>
    %get3A_581 = arith.constant 42 : index
    %get3A_582 = arith.constant 0 : index
    %get3A_583 = vector.load %arg5[%get3A_581, %get3A_582] : memref<64x128xf32, #tpu.memory_space<vmem>>, vector<1x128xf32>
    %add3A_584 = vector.broadcast %broadcast_in_dim3A : vector<512x1xf32> to vector<512x128xf32>
    %add3A_585 = vector.broadcast %get3A_583 : vector<1x128xf32> to vector<512x128xf32>
    %add3A_586 = arith.addf %add3A_584, %add3A_585 : vector<512x128xf32>
    %slice3A_587 = vector.extract_strided_slice %dot_general3A_554 {offsets = [0, 256], sizes = [512, 128], strides = [1, 1]} : vector<512x1024xf32> to vector<512x128xf32>
    %add3A_588 = arith.addf %add3A_586, %slice3A_587 : vector<512x128xf32>
    %lt3A_589 = arith.cmpf olt, %add3A_588, %select_n3A_577 : vector<512x128xf32>
    %select_n3A_590 = arith.select %lt3A_589, %add3A_588, %select_n3A_577 : vector<512x128xi1>, vector<512x128xf32>
    %jit3A_591 = arith.constant 42 : i32
    %broadcast_in_dim3A_592 = vector.broadcast %jit3A_591 : i32 to vector<512x128xi32>
    %select_n3A_593 = arith.select %lt3A_589, %broadcast_in_dim3A_592, %select_n3A_580 : vector<512x128xi1>, vector<512x128xi32>
    %get3A_594 = arith.constant 43 : index
    %get3A_595 = arith.constant 0 : index
    %get3A_596 = vector.load %arg5[%get3A_594, %get3A_595] : memref<64x128xf32, #tpu.memory_space<vmem>>, vector<1x128xf32>
    %add3A_597 = vector.broadcast %broadcast_in_dim3A : vector<512x1xf32> to vector<512x128xf32>
    %add3A_598 = vector.broadcast %get3A_596 : vector<1x128xf32> to vector<512x128xf32>
    %add3A_599 = arith.addf %add3A_597, %add3A_598 : vector<512x128xf32>
    %slice3A_600 = vector.extract_strided_slice %dot_general3A_554 {offsets = [0, 384], sizes = [512, 128], strides = [1, 1]} : vector<512x1024xf32> to vector<512x128xf32>
    %add3A_601 = arith.addf %add3A_599, %slice3A_600 : vector<512x128xf32>
    %lt3A_602 = arith.cmpf olt, %add3A_601, %select_n3A_590 : vector<512x128xf32>
    %select_n3A_603 = arith.select %lt3A_602, %add3A_601, %select_n3A_590 : vector<512x128xi1>, vector<512x128xf32>
    %jit3A_604 = arith.constant 43 : i32
    %broadcast_in_dim3A_605 = vector.broadcast %jit3A_604 : i32 to vector<512x128xi32>
    %select_n3A_606 = arith.select %lt3A_602, %broadcast_in_dim3A_605, %select_n3A_593 : vector<512x128xi1>, vector<512x128xi32>
    %get3A_607 = arith.constant 44 : index
    %get3A_608 = arith.constant 0 : index
    %get3A_609 = vector.load %arg5[%get3A_607, %get3A_608] : memref<64x128xf32, #tpu.memory_space<vmem>>, vector<1x128xf32>
    %add3A_610 = vector.broadcast %broadcast_in_dim3A : vector<512x1xf32> to vector<512x128xf32>
    %add3A_611 = vector.broadcast %get3A_609 : vector<1x128xf32> to vector<512x128xf32>
    %add3A_612 = arith.addf %add3A_610, %add3A_611 : vector<512x128xf32>
    %slice3A_613 = vector.extract_strided_slice %dot_general3A_554 {offsets = [0, 512], sizes = [512, 128], strides = [1, 1]} : vector<512x1024xf32> to vector<512x128xf32>
    %add3A_614 = arith.addf %add3A_612, %slice3A_613 : vector<512x128xf32>
    %lt3A_615 = arith.cmpf olt, %add3A_614, %select_n3A_603 : vector<512x128xf32>
    %select_n3A_616 = arith.select %lt3A_615, %add3A_614, %select_n3A_603 : vector<512x128xi1>, vector<512x128xf32>
    %jit3A_617 = arith.constant 44 : i32
    %broadcast_in_dim3A_618 = vector.broadcast %jit3A_617 : i32 to vector<512x128xi32>
    %select_n3A_619 = arith.select %lt3A_615, %broadcast_in_dim3A_618, %select_n3A_606 : vector<512x128xi1>, vector<512x128xi32>
    %get3A_620 = arith.constant 45 : index
    %get3A_621 = arith.constant 0 : index
    %get3A_622 = vector.load %arg5[%get3A_620, %get3A_621] : memref<64x128xf32, #tpu.memory_space<vmem>>, vector<1x128xf32>
    %add3A_623 = vector.broadcast %broadcast_in_dim3A : vector<512x1xf32> to vector<512x128xf32>
    %add3A_624 = vector.broadcast %get3A_622 : vector<1x128xf32> to vector<512x128xf32>
    %add3A_625 = arith.addf %add3A_623, %add3A_624 : vector<512x128xf32>
    %slice3A_626 = vector.extract_strided_slice %dot_general3A_554 {offsets = [0, 640], sizes = [512, 128], strides = [1, 1]} : vector<512x1024xf32> to vector<512x128xf32>
    %add3A_627 = arith.addf %add3A_625, %slice3A_626 : vector<512x128xf32>
    %lt3A_628 = arith.cmpf olt, %add3A_627, %select_n3A_616 : vector<512x128xf32>
    %select_n3A_629 = arith.select %lt3A_628, %add3A_627, %select_n3A_616 : vector<512x128xi1>, vector<512x128xf32>
    %jit3A_630 = arith.constant 45 : i32
    %broadcast_in_dim3A_631 = vector.broadcast %jit3A_630 : i32 to vector<512x128xi32>
    %select_n3A_632 = arith.select %lt3A_628, %broadcast_in_dim3A_631, %select_n3A_619 : vector<512x128xi1>, vector<512x128xi32>
    %get3A_633 = arith.constant 46 : index
    %get3A_634 = arith.constant 0 : index
    %get3A_635 = vector.load %arg5[%get3A_633, %get3A_634] : memref<64x128xf32, #tpu.memory_space<vmem>>, vector<1x128xf32>
    %add3A_636 = vector.broadcast %broadcast_in_dim3A : vector<512x1xf32> to vector<512x128xf32>
    %add3A_637 = vector.broadcast %get3A_635 : vector<1x128xf32> to vector<512x128xf32>
    %add3A_638 = arith.addf %add3A_636, %add3A_637 : vector<512x128xf32>
    %slice3A_639 = vector.extract_strided_slice %dot_general3A_554 {offsets = [0, 768], sizes = [512, 128], strides = [1, 1]} : vector<512x1024xf32> to vector<512x128xf32>
    %add3A_640 = arith.addf %add3A_638, %slice3A_639 : vector<512x128xf32>
    %lt3A_641 = arith.cmpf olt, %add3A_640, %select_n3A_629 : vector<512x128xf32>
    %select_n3A_642 = arith.select %lt3A_641, %add3A_640, %select_n3A_629 : vector<512x128xi1>, vector<512x128xf32>
    %jit3A_643 = arith.constant 46 : i32
    %broadcast_in_dim3A_644 = vector.broadcast %jit3A_643 : i32 to vector<512x128xi32>
    %select_n3A_645 = arith.select %lt3A_641, %broadcast_in_dim3A_644, %select_n3A_632 : vector<512x128xi1>, vector<512x128xi32>
    %get3A_646 = arith.constant 47 : index
    %get3A_647 = arith.constant 0 : index
    %get3A_648 = vector.load %arg5[%get3A_646, %get3A_647] : memref<64x128xf32, #tpu.memory_space<vmem>>, vector<1x128xf32>
    %add3A_649 = vector.broadcast %broadcast_in_dim3A : vector<512x1xf32> to vector<512x128xf32>
    %add3A_650 = vector.broadcast %get3A_648 : vector<1x128xf32> to vector<512x128xf32>
    %add3A_651 = arith.addf %add3A_649, %add3A_650 : vector<512x128xf32>
    %slice3A_652 = vector.extract_strided_slice %dot_general3A_554 {offsets = [0, 896], sizes = [512, 128], strides = [1, 1]} : vector<512x1024xf32> to vector<512x128xf32>
    %add3A_653 = arith.addf %add3A_651, %slice3A_652 : vector<512x128xf32>
    %lt3A_654 = arith.cmpf olt, %add3A_653, %select_n3A_642 : vector<512x128xf32>
    %select_n3A_655 = arith.select %lt3A_654, %add3A_653, %select_n3A_642 : vector<512x128xi1>, vector<512x128xf32>
    %jit3A_656 = arith.constant 47 : i32
    %broadcast_in_dim3A_657 = vector.broadcast %jit3A_656 : i32 to vector<512x128xi32>
    %select_n3A_658 = arith.select %lt3A_654, %broadcast_in_dim3A_657, %select_n3A_645 : vector<512x128xi1>, vector<512x128xi32>
    %get3A_659 = arith.constant 6144 : index
    %get3A_660 = arith.constant 0 : index
    %get3A_661 = vector.load %arg2[%get3A_659, %get3A_660] : memref<8192x256xf32, #tpu.memory_space<vmem>>, vector<1024x256xf32>
    %dot_general3A_662 = arith.constant dense<0.000000e+00> : vector<512x1024xf32>
    %dot_general3A_663 = tpu.matmul %mul3A_5, %get3A_661, %dot_general3A_662 {dimension_numbers = #tpu.dot_dimension_numbers<[1], [1], [0], [0], [0, 0, 1, 0], [], []>, transpose_lhs_hint = false} : vector<512x256xf32>, vector<1024x256xf32>, vector<512x1024xf32> -> vector<512x1024xf32>
    %get3A_664 = arith.constant 48 : index
    %get3A_665 = arith.constant 0 : index
    %get3A_666 = vector.load %arg5[%get3A_664, %get3A_665] : memref<64x128xf32, #tpu.memory_space<vmem>>, vector<1x128xf32>
    %add3A_667 = vector.broadcast %broadcast_in_dim3A : vector<512x1xf32> to vector<512x128xf32>
    %add3A_668 = vector.broadcast %get3A_666 : vector<1x128xf32> to vector<512x128xf32>
    %add3A_669 = arith.addf %add3A_667, %add3A_668 : vector<512x128xf32>
    %slice3A_670 = vector.extract_strided_slice %dot_general3A_663 {offsets = [0, 0], sizes = [512, 128], strides = [1, 1]} : vector<512x1024xf32> to vector<512x128xf32>
    %add3A_671 = arith.addf %add3A_669, %slice3A_670 : vector<512x128xf32>
    %lt3A_672 = arith.cmpf olt, %add3A_671, %select_n3A_655 : vector<512x128xf32>
    %select_n3A_673 = arith.select %lt3A_672, %add3A_671, %select_n3A_655 : vector<512x128xi1>, vector<512x128xf32>
    %jit3A_674 = arith.constant 48 : i32
    %broadcast_in_dim3A_675 = vector.broadcast %jit3A_674 : i32 to vector<512x128xi32>
    %select_n3A_676 = arith.select %lt3A_672, %broadcast_in_dim3A_675, %select_n3A_658 : vector<512x128xi1>, vector<512x128xi32>
    %get3A_677 = arith.constant 49 : index
    %get3A_678 = arith.constant 0 : index
    %get3A_679 = vector.load %arg5[%get3A_677, %get3A_678] : memref<64x128xf32, #tpu.memory_space<vmem>>, vector<1x128xf32>
    %add3A_680 = vector.broadcast %broadcast_in_dim3A : vector<512x1xf32> to vector<512x128xf32>
    %add3A_681 = vector.broadcast %get3A_679 : vector<1x128xf32> to vector<512x128xf32>
    %add3A_682 = arith.addf %add3A_680, %add3A_681 : vector<512x128xf32>
    %slice3A_683 = vector.extract_strided_slice %dot_general3A_663 {offsets = [0, 128], sizes = [512, 128], strides = [1, 1]} : vector<512x1024xf32> to vector<512x128xf32>
    %add3A_684 = arith.addf %add3A_682, %slice3A_683 : vector<512x128xf32>
    %lt3A_685 = arith.cmpf olt, %add3A_684, %select_n3A_673 : vector<512x128xf32>
    %select_n3A_686 = arith.select %lt3A_685, %add3A_684, %select_n3A_673 : vector<512x128xi1>, vector<512x128xf32>
    %jit3A_687 = arith.constant 49 : i32
    %broadcast_in_dim3A_688 = vector.broadcast %jit3A_687 : i32 to vector<512x128xi32>
    %select_n3A_689 = arith.select %lt3A_685, %broadcast_in_dim3A_688, %select_n3A_676 : vector<512x128xi1>, vector<512x128xi32>
    %get3A_690 = arith.constant 50 : index
    %get3A_691 = arith.constant 0 : index
    %get3A_692 = vector.load %arg5[%get3A_690, %get3A_691] : memref<64x128xf32, #tpu.memory_space<vmem>>, vector<1x128xf32>
    %add3A_693 = vector.broadcast %broadcast_in_dim3A : vector<512x1xf32> to vector<512x128xf32>
    %add3A_694 = vector.broadcast %get3A_692 : vector<1x128xf32> to vector<512x128xf32>
    %add3A_695 = arith.addf %add3A_693, %add3A_694 : vector<512x128xf32>
    %slice3A_696 = vector.extract_strided_slice %dot_general3A_663 {offsets = [0, 256], sizes = [512, 128], strides = [1, 1]} : vector<512x1024xf32> to vector<512x128xf32>
    %add3A_697 = arith.addf %add3A_695, %slice3A_696 : vector<512x128xf32>
    %lt3A_698 = arith.cmpf olt, %add3A_697, %select_n3A_686 : vector<512x128xf32>
    %select_n3A_699 = arith.select %lt3A_698, %add3A_697, %select_n3A_686 : vector<512x128xi1>, vector<512x128xf32>
    %jit3A_700 = arith.constant 50 : i32
    %broadcast_in_dim3A_701 = vector.broadcast %jit3A_700 : i32 to vector<512x128xi32>
    %select_n3A_702 = arith.select %lt3A_698, %broadcast_in_dim3A_701, %select_n3A_689 : vector<512x128xi1>, vector<512x128xi32>
    %get3A_703 = arith.constant 51 : index
    %get3A_704 = arith.constant 0 : index
    %get3A_705 = vector.load %arg5[%get3A_703, %get3A_704] : memref<64x128xf32, #tpu.memory_space<vmem>>, vector<1x128xf32>
    %add3A_706 = vector.broadcast %broadcast_in_dim3A : vector<512x1xf32> to vector<512x128xf32>
    %add3A_707 = vector.broadcast %get3A_705 : vector<1x128xf32> to vector<512x128xf32>
    %add3A_708 = arith.addf %add3A_706, %add3A_707 : vector<512x128xf32>
    %slice3A_709 = vector.extract_strided_slice %dot_general3A_663 {offsets = [0, 384], sizes = [512, 128], strides = [1, 1]} : vector<512x1024xf32> to vector<512x128xf32>
    %add3A_710 = arith.addf %add3A_708, %slice3A_709 : vector<512x128xf32>
    %lt3A_711 = arith.cmpf olt, %add3A_710, %select_n3A_699 : vector<512x128xf32>
    %select_n3A_712 = arith.select %lt3A_711, %add3A_710, %select_n3A_699 : vector<512x128xi1>, vector<512x128xf32>
    %jit3A_713 = arith.constant 51 : i32
    %broadcast_in_dim3A_714 = vector.broadcast %jit3A_713 : i32 to vector<512x128xi32>
    %select_n3A_715 = arith.select %lt3A_711, %broadcast_in_dim3A_714, %select_n3A_702 : vector<512x128xi1>, vector<512x128xi32>
    %get3A_716 = arith.constant 52 : index
    %get3A_717 = arith.constant 0 : index
    %get3A_718 = vector.load %arg5[%get3A_716, %get3A_717] : memref<64x128xf32, #tpu.memory_space<vmem>>, vector<1x128xf32>
    %add3A_719 = vector.broadcast %broadcast_in_dim3A : vector<512x1xf32> to vector<512x128xf32>
    %add3A_720 = vector.broadcast %get3A_718 : vector<1x128xf32> to vector<512x128xf32>
    %add3A_721 = arith.addf %add3A_719, %add3A_720 : vector<512x128xf32>
    %slice3A_722 = vector.extract_strided_slice %dot_general3A_663 {offsets = [0, 512], sizes = [512, 128], strides = [1, 1]} : vector<512x1024xf32> to vector<512x128xf32>
    %add3A_723 = arith.addf %add3A_721, %slice3A_722 : vector<512x128xf32>
    %lt3A_724 = arith.cmpf olt, %add3A_723, %select_n3A_712 : vector<512x128xf32>
    %select_n3A_725 = arith.select %lt3A_724, %add3A_723, %select_n3A_712 : vector<512x128xi1>, vector<512x128xf32>
    %jit3A_726 = arith.constant 52 : i32
    %broadcast_in_dim3A_727 = vector.broadcast %jit3A_726 : i32 to vector<512x128xi32>
    %select_n3A_728 = arith.select %lt3A_724, %broadcast_in_dim3A_727, %select_n3A_715 : vector<512x128xi1>, vector<512x128xi32>
    %get3A_729 = arith.constant 53 : index
    %get3A_730 = arith.constant 0 : index
    %get3A_731 = vector.load %arg5[%get3A_729, %get3A_730] : memref<64x128xf32, #tpu.memory_space<vmem>>, vector<1x128xf32>
    %add3A_732 = vector.broadcast %broadcast_in_dim3A : vector<512x1xf32> to vector<512x128xf32>
    %add3A_733 = vector.broadcast %get3A_731 : vector<1x128xf32> to vector<512x128xf32>
    %add3A_734 = arith.addf %add3A_732, %add3A_733 : vector<512x128xf32>
    %slice3A_735 = vector.extract_strided_slice %dot_general3A_663 {offsets = [0, 640], sizes = [512, 128], strides = [1, 1]} : vector<512x1024xf32> to vector<512x128xf32>
    %add3A_736 = arith.addf %add3A_734, %slice3A_735 : vector<512x128xf32>
    %lt3A_737 = arith.cmpf olt, %add3A_736, %select_n3A_725 : vector<512x128xf32>
    %select_n3A_738 = arith.select %lt3A_737, %add3A_736, %select_n3A_725 : vector<512x128xi1>, vector<512x128xf32>
    %jit3A_739 = arith.constant 53 : i32
    %broadcast_in_dim3A_740 = vector.broadcast %jit3A_739 : i32 to vector<512x128xi32>
    %select_n3A_741 = arith.select %lt3A_737, %broadcast_in_dim3A_740, %select_n3A_728 : vector<512x128xi1>, vector<512x128xi32>
    %get3A_742 = arith.constant 54 : index
    %get3A_743 = arith.constant 0 : index
    %get3A_744 = vector.load %arg5[%get3A_742, %get3A_743] : memref<64x128xf32, #tpu.memory_space<vmem>>, vector<1x128xf32>
    %add3A_745 = vector.broadcast %broadcast_in_dim3A : vector<512x1xf32> to vector<512x128xf32>
    %add3A_746 = vector.broadcast %get3A_744 : vector<1x128xf32> to vector<512x128xf32>
    %add3A_747 = arith.addf %add3A_745, %add3A_746 : vector<512x128xf32>
    %slice3A_748 = vector.extract_strided_slice %dot_general3A_663 {offsets = [0, 768], sizes = [512, 128], strides = [1, 1]} : vector<512x1024xf32> to vector<512x128xf32>
    %add3A_749 = arith.addf %add3A_747, %slice3A_748 : vector<512x128xf32>
    %lt3A_750 = arith.cmpf olt, %add3A_749, %select_n3A_738 : vector<512x128xf32>
    %select_n3A_751 = arith.select %lt3A_750, %add3A_749, %select_n3A_738 : vector<512x128xi1>, vector<512x128xf32>
    %jit3A_752 = arith.constant 54 : i32
    %broadcast_in_dim3A_753 = vector.broadcast %jit3A_752 : i32 to vector<512x128xi32>
    %select_n3A_754 = arith.select %lt3A_750, %broadcast_in_dim3A_753, %select_n3A_741 : vector<512x128xi1>, vector<512x128xi32>
    %get3A_755 = arith.constant 55 : index
    %get3A_756 = arith.constant 0 : index
    %get3A_757 = vector.load %arg5[%get3A_755, %get3A_756] : memref<64x128xf32, #tpu.memory_space<vmem>>, vector<1x128xf32>
    %add3A_758 = vector.broadcast %broadcast_in_dim3A : vector<512x1xf32> to vector<512x128xf32>
    %add3A_759 = vector.broadcast %get3A_757 : vector<1x128xf32> to vector<512x128xf32>
    %add3A_760 = arith.addf %add3A_758, %add3A_759 : vector<512x128xf32>
    %slice3A_761 = vector.extract_strided_slice %dot_general3A_663 {offsets = [0, 896], sizes = [512, 128], strides = [1, 1]} : vector<512x1024xf32> to vector<512x128xf32>
    %add3A_762 = arith.addf %add3A_760, %slice3A_761 : vector<512x128xf32>
    %lt3A_763 = arith.cmpf olt, %add3A_762, %select_n3A_751 : vector<512x128xf32>
    %select_n3A_764 = arith.select %lt3A_763, %add3A_762, %select_n3A_751 : vector<512x128xi1>, vector<512x128xf32>
    %jit3A_765 = arith.constant 55 : i32
    %broadcast_in_dim3A_766 = vector.broadcast %jit3A_765 : i32 to vector<512x128xi32>
    %select_n3A_767 = arith.select %lt3A_763, %broadcast_in_dim3A_766, %select_n3A_754 : vector<512x128xi1>, vector<512x128xi32>
    %get3A_768 = arith.constant 7168 : index
    %get3A_769 = arith.constant 0 : index
    %get3A_770 = vector.load %arg2[%get3A_768, %get3A_769] : memref<8192x256xf32, #tpu.memory_space<vmem>>, vector<1024x256xf32>
    %dot_general3A_771 = arith.constant dense<0.000000e+00> : vector<512x1024xf32>
    %dot_general3A_772 = tpu.matmul %mul3A_5, %get3A_770, %dot_general3A_771 {dimension_numbers = #tpu.dot_dimension_numbers<[1], [1], [0], [0], [0, 0, 1, 0], [], []>, transpose_lhs_hint = false} : vector<512x256xf32>, vector<1024x256xf32>, vector<512x1024xf32> -> vector<512x1024xf32>
    %get3A_773 = arith.constant 56 : index
    %get3A_774 = arith.constant 0 : index
    %get3A_775 = vector.load %arg5[%get3A_773, %get3A_774] : memref<64x128xf32, #tpu.memory_space<vmem>>, vector<1x128xf32>
    %add3A_776 = vector.broadcast %broadcast_in_dim3A : vector<512x1xf32> to vector<512x128xf32>
    %add3A_777 = vector.broadcast %get3A_775 : vector<1x128xf32> to vector<512x128xf32>
    %add3A_778 = arith.addf %add3A_776, %add3A_777 : vector<512x128xf32>
    %slice3A_779 = vector.extract_strided_slice %dot_general3A_772 {offsets = [0, 0], sizes = [512, 128], strides = [1, 1]} : vector<512x1024xf32> to vector<512x128xf32>
    %add3A_780 = arith.addf %add3A_778, %slice3A_779 : vector<512x128xf32>
    %lt3A_781 = arith.cmpf olt, %add3A_780, %select_n3A_764 : vector<512x128xf32>
    %select_n3A_782 = arith.select %lt3A_781, %add3A_780, %select_n3A_764 : vector<512x128xi1>, vector<512x128xf32>
    %jit3A_783 = arith.constant 56 : i32
    %broadcast_in_dim3A_784 = vector.broadcast %jit3A_783 : i32 to vector<512x128xi32>
    %select_n3A_785 = arith.select %lt3A_781, %broadcast_in_dim3A_784, %select_n3A_767 : vector<512x128xi1>, vector<512x128xi32>
    %get3A_786 = arith.constant 57 : index
    %get3A_787 = arith.constant 0 : index
    %get3A_788 = vector.load %arg5[%get3A_786, %get3A_787] : memref<64x128xf32, #tpu.memory_space<vmem>>, vector<1x128xf32>
    %add3A_789 = vector.broadcast %broadcast_in_dim3A : vector<512x1xf32> to vector<512x128xf32>
    %add3A_790 = vector.broadcast %get3A_788 : vector<1x128xf32> to vector<512x128xf32>
    %add3A_791 = arith.addf %add3A_789, %add3A_790 : vector<512x128xf32>
    %slice3A_792 = vector.extract_strided_slice %dot_general3A_772 {offsets = [0, 128], sizes = [512, 128], strides = [1, 1]} : vector<512x1024xf32> to vector<512x128xf32>
    %add3A_793 = arith.addf %add3A_791, %slice3A_792 : vector<512x128xf32>
    %lt3A_794 = arith.cmpf olt, %add3A_793, %select_n3A_782 : vector<512x128xf32>
    %select_n3A_795 = arith.select %lt3A_794, %add3A_793, %select_n3A_782 : vector<512x128xi1>, vector<512x128xf32>
    %jit3A_796 = arith.constant 57 : i32
    %broadcast_in_dim3A_797 = vector.broadcast %jit3A_796 : i32 to vector<512x128xi32>
    %select_n3A_798 = arith.select %lt3A_794, %broadcast_in_dim3A_797, %select_n3A_785 : vector<512x128xi1>, vector<512x128xi32>
    %get3A_799 = arith.constant 58 : index
    %get3A_800 = arith.constant 0 : index
    %get3A_801 = vector.load %arg5[%get3A_799, %get3A_800] : memref<64x128xf32, #tpu.memory_space<vmem>>, vector<1x128xf32>
    %add3A_802 = vector.broadcast %broadcast_in_dim3A : vector<512x1xf32> to vector<512x128xf32>
    %add3A_803 = vector.broadcast %get3A_801 : vector<1x128xf32> to vector<512x128xf32>
    %add3A_804 = arith.addf %add3A_802, %add3A_803 : vector<512x128xf32>
    %slice3A_805 = vector.extract_strided_slice %dot_general3A_772 {offsets = [0, 256], sizes = [512, 128], strides = [1, 1]} : vector<512x1024xf32> to vector<512x128xf32>
    %add3A_806 = arith.addf %add3A_804, %slice3A_805 : vector<512x128xf32>
    %lt3A_807 = arith.cmpf olt, %add3A_806, %select_n3A_795 : vector<512x128xf32>
    %select_n3A_808 = arith.select %lt3A_807, %add3A_806, %select_n3A_795 : vector<512x128xi1>, vector<512x128xf32>
    %jit3A_809 = arith.constant 58 : i32
    %broadcast_in_dim3A_810 = vector.broadcast %jit3A_809 : i32 to vector<512x128xi32>
    %select_n3A_811 = arith.select %lt3A_807, %broadcast_in_dim3A_810, %select_n3A_798 : vector<512x128xi1>, vector<512x128xi32>
    %get3A_812 = arith.constant 59 : index
    %get3A_813 = arith.constant 0 : index
    %get3A_814 = vector.load %arg5[%get3A_812, %get3A_813] : memref<64x128xf32, #tpu.memory_space<vmem>>, vector<1x128xf32>
    %add3A_815 = vector.broadcast %broadcast_in_dim3A : vector<512x1xf32> to vector<512x128xf32>
    %add3A_816 = vector.broadcast %get3A_814 : vector<1x128xf32> to vector<512x128xf32>
    %add3A_817 = arith.addf %add3A_815, %add3A_816 : vector<512x128xf32>
    %slice3A_818 = vector.extract_strided_slice %dot_general3A_772 {offsets = [0, 384], sizes = [512, 128], strides = [1, 1]} : vector<512x1024xf32> to vector<512x128xf32>
    %add3A_819 = arith.addf %add3A_817, %slice3A_818 : vector<512x128xf32>
    %lt3A_820 = arith.cmpf olt, %add3A_819, %select_n3A_808 : vector<512x128xf32>
    %select_n3A_821 = arith.select %lt3A_820, %add3A_819, %select_n3A_808 : vector<512x128xi1>, vector<512x128xf32>
    %jit3A_822 = arith.constant 59 : i32
    %broadcast_in_dim3A_823 = vector.broadcast %jit3A_822 : i32 to vector<512x128xi32>
    %select_n3A_824 = arith.select %lt3A_820, %broadcast_in_dim3A_823, %select_n3A_811 : vector<512x128xi1>, vector<512x128xi32>
    %get3A_825 = arith.constant 60 : index
    %get3A_826 = arith.constant 0 : index
    %get3A_827 = vector.load %arg5[%get3A_825, %get3A_826] : memref<64x128xf32, #tpu.memory_space<vmem>>, vector<1x128xf32>
    %add3A_828 = vector.broadcast %broadcast_in_dim3A : vector<512x1xf32> to vector<512x128xf32>
    %add3A_829 = vector.broadcast %get3A_827 : vector<1x128xf32> to vector<512x128xf32>
    %add3A_830 = arith.addf %add3A_828, %add3A_829 : vector<512x128xf32>
    %slice3A_831 = vector.extract_strided_slice %dot_general3A_772 {offsets = [0, 512], sizes = [512, 128], strides = [1, 1]} : vector<512x1024xf32> to vector<512x128xf32>
    %add3A_832 = arith.addf %add3A_830, %slice3A_831 : vector<512x128xf32>
    %lt3A_833 = arith.cmpf olt, %add3A_832, %select_n3A_821 : vector<512x128xf32>
    %select_n3A_834 = arith.select %lt3A_833, %add3A_832, %select_n3A_821 : vector<512x128xi1>, vector<512x128xf32>
    %jit3A_835 = arith.constant 60 : i32
    %broadcast_in_dim3A_836 = vector.broadcast %jit3A_835 : i32 to vector<512x128xi32>
    %select_n3A_837 = arith.select %lt3A_833, %broadcast_in_dim3A_836, %select_n3A_824 : vector<512x128xi1>, vector<512x128xi32>
    %get3A_838 = arith.constant 61 : index
    %get3A_839 = arith.constant 0 : index
    %get3A_840 = vector.load %arg5[%get3A_838, %get3A_839] : memref<64x128xf32, #tpu.memory_space<vmem>>, vector<1x128xf32>
    %add3A_841 = vector.broadcast %broadcast_in_dim3A : vector<512x1xf32> to vector<512x128xf32>
    %add3A_842 = vector.broadcast %get3A_840 : vector<1x128xf32> to vector<512x128xf32>
    %add3A_843 = arith.addf %add3A_841, %add3A_842 : vector<512x128xf32>
    %slice3A_844 = vector.extract_strided_slice %dot_general3A_772 {offsets = [0, 640], sizes = [512, 128], strides = [1, 1]} : vector<512x1024xf32> to vector<512x128xf32>
    %add3A_845 = arith.addf %add3A_843, %slice3A_844 : vector<512x128xf32>
    %lt3A_846 = arith.cmpf olt, %add3A_845, %select_n3A_834 : vector<512x128xf32>
    %select_n3A_847 = arith.select %lt3A_846, %add3A_845, %select_n3A_834 : vector<512x128xi1>, vector<512x128xf32>
    %jit3A_848 = arith.constant 61 : i32
    %broadcast_in_dim3A_849 = vector.broadcast %jit3A_848 : i32 to vector<512x128xi32>
    %select_n3A_850 = arith.select %lt3A_846, %broadcast_in_dim3A_849, %select_n3A_837 : vector<512x128xi1>, vector<512x128xi32>
    %get3A_851 = arith.constant 62 : index
    %get3A_852 = arith.constant 0 : index
    %get3A_853 = vector.load %arg5[%get3A_851, %get3A_852] : memref<64x128xf32, #tpu.memory_space<vmem>>, vector<1x128xf32>
    %add3A_854 = vector.broadcast %broadcast_in_dim3A : vector<512x1xf32> to vector<512x128xf32>
    %add3A_855 = vector.broadcast %get3A_853 : vector<1x128xf32> to vector<512x128xf32>
    %add3A_856 = arith.addf %add3A_854, %add3A_855 : vector<512x128xf32>
    %slice3A_857 = vector.extract_strided_slice %dot_general3A_772 {offsets = [0, 768], sizes = [512, 128], strides = [1, 1]} : vector<512x1024xf32> to vector<512x128xf32>
    %add3A_858 = arith.addf %add3A_856, %slice3A_857 : vector<512x128xf32>
    %lt3A_859 = arith.cmpf olt, %add3A_858, %select_n3A_847 : vector<512x128xf32>
    %select_n3A_860 = arith.select %lt3A_859, %add3A_858, %select_n3A_847 : vector<512x128xi1>, vector<512x128xf32>
    %jit3A_861 = arith.constant 62 : i32
    %broadcast_in_dim3A_862 = vector.broadcast %jit3A_861 : i32 to vector<512x128xi32>
    %select_n3A_863 = arith.select %lt3A_859, %broadcast_in_dim3A_862, %select_n3A_850 : vector<512x128xi1>, vector<512x128xi32>
    %get3A_864 = arith.constant 63 : index
    %get3A_865 = arith.constant 0 : index
    %get3A_866 = vector.load %arg5[%get3A_864, %get3A_865] : memref<64x128xf32, #tpu.memory_space<vmem>>, vector<1x128xf32>
    %add3A_867 = vector.broadcast %broadcast_in_dim3A : vector<512x1xf32> to vector<512x128xf32>
    %add3A_868 = vector.broadcast %get3A_866 : vector<1x128xf32> to vector<512x128xf32>
    %add3A_869 = arith.addf %add3A_867, %add3A_868 : vector<512x128xf32>
    %slice3A_870 = vector.extract_strided_slice %dot_general3A_772 {offsets = [0, 896], sizes = [512, 128], strides = [1, 1]} : vector<512x1024xf32> to vector<512x128xf32>
    %add3A_871 = arith.addf %add3A_869, %slice3A_870 : vector<512x128xf32>
    %lt3A_872 = arith.cmpf olt, %add3A_871, %select_n3A_860 : vector<512x128xf32>
    %select_n3A_873 = arith.select %lt3A_872, %add3A_871, %select_n3A_860 : vector<512x128xi1>, vector<512x128xf32>
    %jit3A_874 = arith.constant 63 : i32
    %broadcast_in_dim3A_875 = vector.broadcast %jit3A_874 : i32 to vector<512x128xi32>
    %select_n3A_876 = arith.select %lt3A_872, %broadcast_in_dim3A_875, %select_n3A_863 : vector<512x128xi1>, vector<512x128xi32>
    %reduce_min3A = arith.constant dense<0x7F800000> : vector<512xf32>
    %reduce_min3A_877 = vector.multi_reduction <minimumf>, %select_n3A_873, %reduce_min3A [1] : vector<512x128xf32> to vector<512xf32>
    %broadcast_in_dim3A_878 = vector.shape_cast %reduce_min3A_877 : vector<512xf32> to vector<512x1xf32>
    %mul3A_879 = arith.constant 128 : i32
    %mul3A_880 = vector.broadcast %mul3A_879 : i32 to vector<512x128xi32>
    %mul3A_881 = arith.muli %select_n3A_876, %mul3A_880 : vector<512x128xi32>
    %iota3A = tpu.iota {dimensions = array<i32: 1>} : vector<512x128xi32>
    %add3A_882 = arith.addi %mul3A_881, %iota3A : vector<512x128xi32>
    %eq3A_883 = vector.broadcast %broadcast_in_dim3A_878 : vector<512x1xf32> to vector<512x128xf32>
    %eq3A_884 = arith.cmpf oeq, %select_n3A_873, %eq3A_883 : vector<512x128xf32>
    %jit3A_885 = arith.constant 1073741824 : i32
    %broadcast_in_dim3A_886 = vector.broadcast %jit3A_885 : i32 to vector<512x128xi32>
    %select_n3A_887 = arith.select %eq3A_884, %add3A_882, %broadcast_in_dim3A_886 : vector<512x128xi1>, vector<512x128xi32>
    %reduce_min3A_888 = arith.constant dense<2147483647> : vector<512xi32>
    %reduce_min3A_889 = vector.multi_reduction <minsi>, %select_n3A_887, %reduce_min3A_888 [1] : vector<512x128xi32> to vector<512xi32>
    %reshape3A = vector.shape_cast %reduce_min3A_889 : vector<512xi32> to vector<512x1xi32>
    %swap3A = arith.constant 0 : index
    %swap3A_890 = arith.constant 0 : index
    %swap3A_891 = vector.load %arg3[%swap3A, %swap3A_890] : memref<512x1xi32, #tpu.memory_space<vmem>>, vector<512x1xi32>
    tpu.vector_store %arg3[%swap3A, %swap3A_890], %reshape3A {strides = array<i32>} : memref<512x1xi32, #tpu.memory_space<vmem>>, vector<512x1xi32>,
    %reduce_sum3A_892 = vector.shape_cast %broadcast_in_dim3A_878 : vector<512x1xf32> to vector<1x512x1xf32>
    %reduce_sum3A_893 = arith.constant dense<0.000000e+00> : vector<1xf32>
    %reduce_sum3A_894 = vector.multi_reduction <add>, %reduce_sum3A_892, %reduce_sum3A_893 [1, 2] : vector<1x512x1xf32> to vector<1xf32>
    %reduce_sum3A_895 = vector.shape_cast %reduce_sum3A_894 : vector<1xf32> to vector<1x1x1xf32>
    %reduce_sum3A_896 = vector.extract %reduce_sum3A_895[0, 0, 0] : f32 from vector<1x1x1xf32>
    %reshape3A_897 = vector.broadcast %reduce_sum3A_896 : f32 to vector<1x1x1xf32>
    %swap3A_898 = arith.constant 0 : index
    %swap3A_899 = arith.constant 0 : index
    %swap3A_900 = arith.constant 0 : index
    %swap3A_901 = vector.load %arg4[%swap3A_898, %swap3A_899, %swap3A_900] : memref<1x1x1xf32, #tpu.memory_space<vmem>>, vector<1x1x1xf32>
    tpu.vector_store %arg4[%swap3A_898, %swap3A_899, %swap3A_900], %reshape3A_897 {strides = array<i32>} : memref<1x1x1xf32, #tpu.memory_space<vmem>>, vector<1x1x1xf32>,
    return
  }
  func.func @transform_0(%arg0: i32) -> (i32, i32) {
    %c0_i32 = arith.constant 0 : i32
    %c0_i32_0 = arith.constant 0 : i32
    return %arg0, %c0_i32 : i32, i32
  }
  func.func @transform_1(%arg0: i32) -> (i32, i32) {
    %c0_i32 = arith.constant 0 : i32
    %c0_i32_0 = arith.constant 0 : i32
    %c0_i32_1 = arith.constant 0 : i32
    return %c0_i32, %c0_i32_0 : i32, i32
  }
  func.func @transform_2(%arg0: i32) -> (i32, i32) {
    %c0_i32 = arith.constant 0 : i32
    %c0_i32_0 = arith.constant 0 : i32
    return %arg0, %c0_i32 : i32, i32
  }
  func.func @transform_3(%arg0: i32) -> (i32, i32, i32) {
    %c0_i32 = arith.constant 0 : i32
    %c0_i32_0 = arith.constant 0 : i32
    %c0_i32_1 = arith.constant 0 : i32
    return %arg0, %c0_i32, %c0_i32_0 : i32, i32, i32
  }
}

</mosaic_0001>

<sc_bundles>
// kernel: kernel.4.cloned.1.call-start
scs
__scs_entry_jumppad:
0x0: {  	(pc) =	sbr.rel $0x88, $3  }
0x1: {  	(tag) =	ssettag $0x0;
	lr =	simm.s32 $0x1  }
0x2: {  	[smem:$0x3F9F] =	sst lr;
	_ =	strace $0xD0000000  }
0x3: {  	_ = 	snop  }
0x4: {  	_ = 	snop  }
0x5: {  	_ = 	snop  }
0x6: {  	_ = 	snop  }
0x7: {  	_ = 	snop  }
__scs_overlays_trampoline_lowered:
0x8: {  	[smem:$0x3FAE] =	sst s0  }
0x9: {  	[smem:$0x3FAF] =	sst s1  }
0xa: {  	[smem:$0x3FB0] =	sst s2  }
0xb: {  	[smem:$0x3FB1] =	sst s3  }
0xc: {  	[smem:$0x3FB2] =	sst s4  }
0xd: {  	[smem:$0x3FB3] =	sst s5  }
0xe: {  	[smem:$0x3FB4] =	sst s6  }
0xf: {  	[smem:$0x3FB5] =	sst s7  }
0x10: {  	[smem:$0x3FB6] =	sst s8  }
0x11: {  	[smem:$0x3FB7] =	sst s9;
	s0 =	simm.s32 @!p0 $0x0  }
0x12: {  	s1 =	sld [smem:$0x3F9D];
	s0 =	simm.s32 @p0 $0x1  }
0x13: {  	[smem:$0x3FB8] =	sst s0;
	s0 =	simm.s32 @!p1 $0x0  }
0x14: {  	s2 =	sld [smem:$0x3F9C];
	s0 =	simm.s32 @p1 $0x1  }
0x15: {  	[smem:$0x3FB9] =	sst s0;
	s0 =	simm.s32 @!p2 $0x0  }
0x16: {  	s3 =	sld [smem:$0x3FDB];
	s0 =	simm.s32 @p2 $0x1  }
0x17: {  	s4 =	simm.s32 $0x1BF5;
	[smem:$0x3FBB] =	sst s0  }
0x18: {  	s0 =	sld [smem:$0x3F9E];
	_ =	swait.ge [sflag:s4], $0x0  }
0x19: {  	s7 =	sld [smem:$0x3F9F]  }
0x1a: {  	s8 =	sadd.s32 $0xFFFFE003, lr  }
0x1b: {  	s9 =	sadd.s32 $0xFFFFFEF7, lr;
	s5 =	simm.s32 $0xFFFFFFFF;
	p2 =	slt.u32 s8, $0xFFFFF086  }
0x1c: {  	p1 =	slt.u32 s9, $0xF7A;
	s5 =	simm.s32 @!p2 $0x0  }
0x1d: {  	s5 =	simm.s32 @p1 $0x1;
	p0 =	seq.s32 s7, s2  }
0x1e: {  	s7 =	smul.u32 @!p0 $0xF7A, s2;
	p2 =	seq.s32 @!p0 s5, $0x0  }
0x1f: {  	s9 =	smul.u32 $0xF7A, s1;
	s8 =	simm.s32 @!p0 $0x1BF5;
	p2 =	por !p2, p0  }
0x20: {  	[sflag:s8] =	ssyncset.s32 @!p0 $0xFFFFF086;
	s6 =	sadd.s32 @!p0 s3, s7;
	s7 =	simm.s32 @!p0 $0x108  }
0x21: {  	s3 =	sadd.s32 s3, s9;
	s6 =	sadd.s32 @!p0 $0x88, s6;
	s7 =	simm.s32 @p2 $0x1082  }
0x22: {  	[simem:s7], [sflag:s8] =	dma.local @!p0 [hbm:s6], $0xF7A  }
0x23: {  	s9 =	sor.u32 $0xD0000000, s2;
	s6 =	simm.s32 $0x108;
	_ =	swait.ge @!p0 [sflag:s8], $0x0  }
0x24: {  	s3 =	sadd.s32 $0x88, s3;
	s6 =	simm.s32 @!p1 $0x1082;
	[sflag:s4] =	ssyncset.s32 $0xFFFFF086  }
0x25: {  	[simem:s6], [sflag:s4] =	dma.local [hbm:s3], $0xF7A  }
0x26: {  	[smem:$0x3F9F] =	sst s1;
	(tag) =	ssettag s2;
	_ =	strace s9  }
0x27: {  	s1 =	sld [smem:$0x3FAF]  }
0x28: {  	s2 =	sld [smem:$0x3FB0]  }
0x29: {  	s4 =	sld [smem:$0x3FB2]  }
0x2a: {  	p0 =	seq.s32 s5, $0x0;
	s5 =	sld [smem:$0x3FB3]  }
0x2b: {  	s6 =	sld [smem:$0x3FB4]  }
0x2c: {  	s7 =	sld [smem:$0x3FB5]  }
0x2d: {  	s3 =	simm.s32 $0x108;
	s8 =	sld [smem:$0x3FB6]  }
0x2e: {  	s3 =	simm.s32 @!p0 $0x1082;
	s9 =	sld [smem:$0x3FB7]  }
0x2f: {  	lr =	sadd.s32 s0, s3;
	s0 =	sld [smem:$0x3FAE]  }
0x30: {  	s3 =	sld [smem:$0x3FB1]  }
0x31: {  	[smem:$0x3FBA] =	sst s10  }
0x32: {  	s10 =	sld [smem:$0x3FB8];
	_ =	sdelay $0x3  }
0x33: {  	p0 =	seq.s32 s10, $0x1;
	s10 =	sld [smem:$0x3FBA];
	_ =	sdelay $0x3  }
0x34: {  	[smem:$0x3FBA] =	sst s10  }
0x35: {  	s10 =	sld [smem:$0x3FB9];
	_ =	sdelay $0x3  }
0x36: {  	p1 =	seq.s32 s10, $0x1;
	s10 =	sld [smem:$0x3FBA];
	_ =	sdelay $0x3  }
0x37: {  	[smem:$0x3FBA] =	sst s10  }
0x38: {  	s10 =	sld [smem:$0x3FBB]  }
0x39: {  	_ = 	snop;
	(pc) =	sbr.ind lr, $3  }
0x3a: {  	_ = 	snop  }
0x3b: {  	_ = 	snop  }
0x3c: {  	p2 =	seq.s32 s10, $0x1;
	s10 =	sld [smem:$0x3FBA]  }
0x3d: {  	_ =	shalt  }
0x3e: {  	_ =	shalt  }
0x3f: {  	_ =	shalt  }
0x40: {  	_ =	shalt  }
0x41: {  	_ =	shalt  }
0x42: {  	_ =	shalt  }
0x43: {  	_ =	shalt  }
0x44: {  	_ =	shalt  }
0x45: {  	_ =	shalt  }
0x46: {  	_ =	shalt  }
0x47: {  	_ =	shalt  }
0x48: {  	_ =	shalt  }
0x49: {  	_ =	shalt  }
0x4a: {  	_ =	shalt  }
0x4b: {  	_ =	shalt  }
0x4c: {  	_ =	shalt  }
0x4d: {  	_ =	shalt  }
0x4e: {  	_ =	shalt  }
0x4f: {  	_ =	shalt  }
0x50: {  	_ =	shalt  }
0x51: {  	_ =	shalt  }
0x52: {  	_ =	shalt  }
0x53: {  	_ =	shalt  }
0x54: {  	_ =	shalt  }
0x55: {  	_ =	shalt  }
0x56: {  	_ =	shalt  }
0x57: {  	_ =	shalt  }
0x58: {  	_ =	shalt  }
0x59: {  	_ =	shalt  }
0x5a: {  	_ =	shalt  }
0x5b: {  	_ =	shalt  }
0x5c: {  	_ =	shalt  }
0x5d: {  	_ =	shalt  }
0x5e: {  	_ =	shalt  }
0x5f: {  	_ =	shalt  }
0x60: {  	_ =	shalt  }
0x61: {  	_ =	shalt  }
0x62: {  	_ =	shalt  }
0x63: {  	_ =	shalt  }
0x64: {  	_ =	shalt  }
0x65: {  	_ =	shalt  }
0x66: {  	_ =	shalt  }
0x67: {  	_ =	shalt  }
0x68: {  	_ =	shalt  }
0x69: {  	_ =	shalt  }
0x6a: {  	_ =	shalt  }
0x6b: {  	_ =	shalt  }
0x6c: {  	_ =	shalt  }
0x6d: {  	_ =	shalt  }
0x6e: {  	_ =	shalt  }
0x6f: {  	_ =	shalt  }
0x70: {  	_ =	shalt  }
0x71: {  	_ =	shalt  }
0x72: {  	_ =	shalt  }
0x73: {  	_ =	shalt  }
0x74: {  	_ =	shalt  }
0x75: {  	_ =	shalt  }
0x76: {  	_ =	shalt  }
0x77: {  	_ =	shalt  }
0x78: {  	_ =	shalt  }
0x79: {  	_ =	shalt  }
0x7a: {  	_ =	shalt  }
0x7b: {  	_ =	shalt  }
0x7c: {  	_ =	shalt  }
0x7d: {  	_ =	shalt  }
0x7e: {  	_ =	shalt  }
0x7f: {  	_ =	shalt  }
0x80: {  	_ =	shalt  }
0x81: {  	_ =	shalt  }
0x82: {  	_ =	shalt  }
0x83: {  	_ =	shalt  }
0x84: {  	_ =	shalt  }
0x85: {  	_ =	shalt  }
0x86: {  	_ =	shalt  }
0x87: {  	_ =	shalt  }
.Lfunc_end0:
.L_simem_size_0:
called_computation_lowered:
.L_overlay_start_0:
0x88: {  	s2 =	sld [smem:$0x3FD9]  }
0x89: {  	s3 =	sld [smem:$0x3FFE];
	_ =	sdelay $0x1  }
0x8a: {  	s1 =	srdreg.scid  }
0x8b: {  	s0 =	sand.u32 $0x1, s1  }
0x8c: {  	s14 =	sshll.u32 s0, $0xA;
	s2 =	sadd.s32 s3, s2  }
0x8d: {  	s2 =	sadd.s32 s2, s14  }
0x8e: {  	[smem:$0x3FC6] =	sst s2  }
0x8f: {  	_ = 	snop  }
0x90: {  	s2 =	sld [smem:$0x3FD0];
	_ =	sdelay $0x2  }
0x91: {  	s4 =	simm.s32 $0xA;
	s5 =	simm.s32 $0x10;
	s15 =	sld [smem:$0x3FC8]  }
0x92: {  	[smem:s5], [sflag:s4] =	dma.local [hbm:s2], $0x1  }
0x93: {  	_ =	swait.eq [sflag:s4], $0x1  }
0x94: {  	[sflag:s4] =	ssyncset.done $0x0  }
0x95: {  	[sflag:s4] =	ssyncadd.s32 $0xFFFFFFFF  }
0x96: {  	s16 =	sld [smem:$0x10];
	(tm) =	ssettm $0x1  }
0x97: {  	s17 =	sld [smem:$0x3FFB];
	_ =	sdelay $0x3  }
0x98: {  	_ =	strace s17  }
0x99: {  	s4 =	sld [smem:$0x3FFC];
	_ =	sdelay $0x3  }
0x9a: {  	_ =	strace s4  }
0x9b: {  	s4 =	sld [smem:$0x3FFD];
	_ =	sdelay $0x3  }
0x9c: {  	_ =	strace s4  }
0x9d: {  	_ =	strace $0x8FFFFFFF  }
0x9e: {  	s18 =	sld [smem:$0x3FDB];
	_ =	sdelay $0x1  }
0x9f: {  	s19 =	simm.s32 $_scs_section_size  }
0xa0: {  	s6 =	simm.s32 $_size__tile_overlayer_lowered;
	s7 =	simm.s32 $_tile_overlayer_lowered  }
0xa1: {  	s22 =	simm.s32 $0x1BFF;
	s21 =	sshll.u32 s7, $0x1;
	s4 =	sadd.s32 s19, s18  }
0xa2: {  	s8 =	simm.s32 $0x0;
	s20 =	sshll.u32 s6, $0x1;
	s6 =	sadd.s32 s21, s4  }
0xa3: {  	[timem:s8], [sflag:s22] =	dma.local [hbm:s6], s20  }
0xa4: {  	_ =	swait.ge [sflag:s22], s20  }
0xa5: {  	s5 =	ssub.s32 $0x0, s20;
	[sflag:s22] =	ssyncset.done $0x0  }
0xa6: {  	[sflag:s22] =	ssyncadd.s32 s5;
	_ =	sdelay $0x1  }
0xa7: {  	s23 =	simm.s32 $0x1B8B  }
0xa8: {  	_ =	swait.ge [sflag:s23], $0x1  }
0xa9: {  	[sflag:s23] =	ssyncset.done $0x0  }
0xaa: {  	s25 =	simm.s32 $0x1B8E;
	s24 =	sld [smem:$0x3FFE];
	[sflag:s23] =	ssyncadd.s32 $0xFFFFFFFF  }
0xab: {  	s26 =	simm.s32 $execute0_lowered;
	[smem:$0x3FD2] =	sst s25  }
0xac: {  	s6 =	sshll.u32 s26, $0x1;
	_ =	strace $0x80000046;
	[dreg:$0x1] =	wrdreg $0xFFFFFFFF  }
0xad: {  	s28 =	simm.s32 $_size_execute0_lowered;
	s4 =	sadd.s32 s4, s6;
	[dreg:$0x0] =	wrdreg $0x0  }
0xae: {  	s6 =	sshll.u32 s28, $0x1;
	[dreg:$0x2] =	wrdreg s4  }
0xaf: {  	[dreg:$0x3] =	wrdreg s6  }
0xb0: {  	[dreg:$0x4] =	wrdreg $0xC0  }
0xb1: {  	_ =	task [dreg:s8], $0x5FFFF  }
0xb2: {  	[dreg:$0x1] =	wrdreg $0xFFFFFFFF  }
0xb3: {  	[dreg:$0x0] =	wrdreg $0x60  }
0xb4: {  	[dreg:$0x2] =	wrdreg s15  }
0xb5: {  	[dreg:$0x3] =	wrdreg s24  }
0xb6: {  	[dreg:$0x4] =	wrdreg s16  }
0xb7: {  	[dreg:$0x5] =	wrdreg $0x9  }
0xb8: {  	_ =	task.clear_ibuf [dreg:s8], $0x6FFFF;
	_ =	strace $0x90000046  }
0xb9: {  	s29 =	simm.s32 $0x9;
	_ =	strace $0x80000048  }
0xba: {  	_ =	swait.ge [sflag:s29], $0x1  }
0xbb: {  	[sflag:s29] =	ssyncadd.s32 $0xFFFFFFFF  }
0xbc: {  	_ =	strace $0x90000048  }
0xbd: {  	_ =	sfence  }
0xbe: {  	s30 =	sld [smem:$0x0];
	_ =	sdelay $0x2  }
0xbf: {  	s31 =	sshll.u32 s1, $0xD;
	s1 =	sshrl.u32 s1, $0x2  }
0xc0: {  	s3 =	sand.u32 $0x4000, s31;
	s1 =	sadd.s32 s1, s30  }
0xc1: {  	s0 =	sor.u32 s3, s0;
	s1 =	sshll.u32 s1, $0x11  }
0xc2: {  	s0 =	sor.u32 s1, s0  }
0xc3: {  	s0 =	sadd.s32 $0x8F2B, s0  }
0xc4: {  	[sflag:s0] =	ssyncadd.remote.s32 $0x1  }
0xc5: {  	_ =	sfence.sel $0xFFFF  }
0xc6: {  	[dreg:$0x0] =	wrdreg $0xFFFFFFFF;
	(pc) =	sbr.abs _section_cstart, $3  }
0xc7: {  	[dreg:$0x1] =	wrdreg $0xFFFFFFFF  }
0xc8: {  	_ =	task.clear_ibuf [dreg:s8], $0x2FFFF;
	_ =	strace $0x9FFFFFFF  }
0xc9: {  	(tm) =	ssettm $0x7FFFFFFF  }
tec
execute0_lowered:
.L_overlay_start_1:
0x0: {  	(tag) =	ssettag $0x1  }
0x1: {  	s1 =	rddreg [dreg:$0x0];
	s2 =	srdreg.scid  }
0x2: {  	s0 =	stileid.u32;
	s4 =	rddreg [dreg:$0x1]  }
0x3: {  	s6 =	rddreg [dreg:$0x2];
	s3 =	simm.s32 $0x0;
	s10 =	simm.s32 $0x1100  }
0x4: {  	s11 =	simm.s32 $0x1900;
	s12 =	simm.s32 $0x2100;
	s13 =	simm.s32 $0x2900  }
0x5: {  	s14 =	simm.s32 $0x3100;
	s15 =	simm.s32 $0x3900;
	s16 =	simm.s32 $0x4100  }
0x6: {  	s17 =	simm.s32 $0x4900;
	s18 =	simm.s32 $0x5100;
	s19 =	simm.s32 $0x5900  }
0x7: {  	s20 =	simm.s32 $0x6100;
	s21 =	simm.s32 $0x6900;
	s22 =	simm.s32 $0x7100  }
0x8: {  	s23 =	simm.s32 $0x7900;
	s5 =	sand.u32 $0x1, s2;
	s31 =	sshll.u32 s0, $0x1  }
0x9: {  	s24 =	simm.s32 $0x8100;
	s25 =	simm.s32 $0x8900;
	s7 =	sor.u32 s5, s31  }
0xa: {  	s26 =	simm.s32 $0x1;
	s5 =	ssub.s32 $0x2, s5;
	s8 =	smul.u32 $0x12, s7  }
0xb: {  	[smem:$0x7FF] =	sst s3;
	s7 =	smul.u32 $0x1200, s7;
	s9 =	sshrl.u32 s5, $0x1  }
0xc: {  	v2 =	vlaneseq.u32;
	s2 =	rddreg [dreg:$0x3];
	_ =	strace $0x80000047;
	s9 =	ssub.s32 s5, s9  }
0xd: {  	vm0 =	vmmov $0xffff;
	v1 =	vshrl.u32 v2, $0x3;
	s4 =	sadd.s32 s4, s8;
	s5 =	sadd.s32 s6, s7;
	s6 =	smax.u32 s9, $0x1  }
0xe: {  	v0 =	vand.u32 $0x7, v2;
	v2 =	vor.u32 $0x8, v2;
	v1 =	vmul.u32 $0x8, v1;
	s7 =	simm.s32 $0x2;
	s8 =	simm.s32 $0x100;
	s9 =	simm.s32 $0x900  }
.LBB2_1:
0xf: {  	[tilespmem:s3], [sflag:$0x2] =	stream.linear.gather [hbm4b:s4+s3], $0x90, $0x38;
	[tilespmem:$0x9100] =	vst v63  }
0x10: {  	_ =	swait.ge [sflag:s7], $0x90  }
0x11: {  	[sflag:s7] =	ssyncset.done $0x0  }
0x12: {  	[sflag:s7] =	ssyncadd.s32 $0xFFFFFF70  }
0x13: {  	v3 =	vld [tilespmem:$0x0];
	_ =	sdelay $0x4  }
0x14: {  	v4 =	vshll.u32 v3, $0x1  }
0x15: {  	v3 =	vand.u32 $0x7, v3;
	v4 =	vand.u32 $0xFFFFFFF0, v4  }
0x16: {  	v3 =	vor.u32 v3, v4  }
0x17: {  	v4 =	vperm.xlane v3, v0;
	_ =	sdelay $0x1  }
0x18: {  	v3 =	vperm.xlane v3, v2;
	v4 =	vadd.s32 v1, v4;
	_ =	sdelay $0x1  }
0x19: {  	v3 =	vadd.s32 v1, v3;
	_ =	sdelay $0x2  }
0x1a: {  	[tilespmem:s8], [sflag:$0x1] =	stream.indirect_vreg.gather [hbm4b:s1+s3], $0x80, v4, vm0, $0xb8;
	[tilespmem:$0x9100] =	vst v63  }
0x1b: {  	_ = 	snop  }
0x1c: {  	[tilespmem:s9], [sflag:$0x1] =	stream.indirect_vreg.gather [hbm4b:s1+s3], $0x80, v3, vm0, $0xb8;
	[tilespmem:$0x9100] =	vst v63  }
0x1d: {  	v3 =	vld [tilespmem:$0x10];
	_ =	sdelay $0x4  }
0x1e: {  	v56 =	vshll.u32 v3, $0x1  }
0x1f: {  	v3 =	vand.u32 $0x7, v3;
	v4 =	vand.u32 $0xFFFFFFF0, v56  }
0x20: {  	v3 =	vor.u32 v3, v4  }
0x21: {  	v4 =	vperm.xlane v3, v0;
	_ =	sdelay $0x1  }
0x22: {  	v3 =	vperm.xlane v3, v2;
	v4 =	vadd.s32 v1, v4;
	_ =	sdelay $0x1  }
0x23: {  	v3 =	vadd.s32 v1, v3;
	_ =	sdelay $0x2  }
0x24: {  	[tilespmem:s10], [sflag:$0x1] =	stream.indirect_vreg.gather [hbm4b:s1+s3], $0x80, v4, vm0, $0xb8;
	[tilespmem:$0x9100] =	vst v63  }
0x25: {  	_ = 	snop  }
0x26: {  	[tilespmem:s11], [sflag:$0x1] =	stream.indirect_vreg.gather [hbm4b:s1+s3], $0x80, v3, vm0, $0xb8;
	[tilespmem:$0x9100] =	vst v63  }
0x27: {  	v3 =	vld [tilespmem:$0x20];
	_ =	sdelay $0x4  }
0x28: {  	v57 =	vshll.u32 v3, $0x1  }
0x29: {  	v3 =	vand.u32 $0x7, v3;
	v4 =	vand.u32 $0xFFFFFFF0, v57  }
0x2a: {  	v3 =	vor.u32 v3, v4  }
0x2b: {  	v4 =	vperm.xlane v3, v0;
	_ =	sdelay $0x1  }
0x2c: {  	v3 =	vperm.xlane v3, v2;
	v4 =	vadd.s32 v1, v4;
	_ =	sdelay $0x1  }
0x2d: {  	v3 =	vadd.s32 v1, v3;
	_ =	sdelay $0x2  }
0x2e: {  	[tilespmem:s12], [sflag:$0x1] =	stream.indirect_vreg.gather [hbm4b:s1+s3], $0x80, v4, vm0, $0xb8;
	[tilespmem:$0x9100] =	vst v63  }
0x2f: {  	_ = 	snop  }
0x30: {  	[tilespmem:s13], [sflag:$0x1] =	stream.indirect_vreg.gather [hbm4b:s1+s3], $0x80, v3, vm0, $0xb8;
	[tilespmem:$0x9100] =	vst v63  }
0x31: {  	v3 =	vld [tilespmem:$0x30];
	_ =	sdelay $0x4  }
0x32: {  	v58 =	vshll.u32 v3, $0x1  }
0x33: {  	v3 =	vand.u32 $0x7, v3;
	v4 =	vand.u32 $0xFFFFFFF0, v58  }
0x34: {  	v3 =	vor.u32 v3, v4  }
0x35: {  	v4 =	vperm.xlane v3, v0;
	_ =	sdelay $0x1  }
0x36: {  	v3 =	vperm.xlane v3, v2;
	v4 =	vadd.s32 v1, v4;
	_ =	sdelay $0x1  }
0x37: {  	v3 =	vadd.s32 v1, v3;
	_ =	sdelay $0x2  }
0x38: {  	[tilespmem:s14], [sflag:$0x1] =	stream.indirect_vreg.gather [hbm4b:s1+s3], $0x80, v4, vm0, $0xb8;
	[tilespmem:$0x9100] =	vst v63  }
0x39: {  	_ = 	snop  }
0x3a: {  	[tilespmem:s15], [sflag:$0x1] =	stream.indirect_vreg.gather [hbm4b:s1+s3], $0x80, v3, vm0, $0xb8;
	[tilespmem:$0x9100] =	vst v63  }
0x3b: {  	v3 =	vld [tilespmem:$0x40];
	_ =	sdelay $0x4  }
0x3c: {  	v59 =	vshll.u32 v3, $0x1  }
0x3d: {  	v3 =	vand.u32 $0x7, v3;
	v4 =	vand.u32 $0xFFFFFFF0, v59  }
0x3e: {  	v3 =	vor.u32 v3, v4  }
0x3f: {  	v4 =	vperm.xlane v3, v0;
	_ =	sdelay $0x1  }
0x40: {  	v3 =	vperm.xlane v3, v2;
	v4 =	vadd.s32 v1, v4;
	_ =	sdelay $0x1  }
0x41: {  	v3 =	vadd.s32 v1, v3;
	_ =	sdelay $0x2  }
0x42: {  	[tilespmem:s16], [sflag:$0x1] =	stream.indirect_vreg.gather [hbm4b:s1+s3], $0x80, v4, vm0, $0xb8;
	[tilespmem:$0x9100] =	vst v63  }
0x43: {  	_ = 	snop  }
0x44: {  	[tilespmem:s17], [sflag:$0x1] =	stream.indirect_vreg.gather [hbm4b:s1+s3], $0x80, v3, vm0, $0xb8;
	[tilespmem:$0x9100] =	vst v63  }
0x45: {  	v3 =	vld [tilespmem:$0x50];
	_ =	sdelay $0x4  }
0x46: {  	v60 =	vshll.u32 v3, $0x1  }
0x47: {  	v3 =	vand.u32 $0x7, v3;
	v4 =	vand.u32 $0xFFFFFFF0, v60  }
0x48: {  	v3 =	vor.u32 v3, v4  }
0x49: {  	v4 =	vperm.xlane v3, v0;
	_ =	sdelay $0x1  }
0x4a: {  	v3 =	vperm.xlane v3, v2;
	v4 =	vadd.s32 v1, v4;
	_ =	sdelay $0x1  }
0x4b: {  	v3 =	vadd.s32 v1, v3;
	_ =	sdelay $0x2  }
0x4c: {  	[tilespmem:s18], [sflag:$0x1] =	stream.indirect_vreg.gather [hbm4b:s1+s3], $0x80, v4, vm0, $0xb8;
	[tilespmem:$0x9100] =	vst v63  }
0x4d: {  	_ = 	snop  }
0x4e: {  	[tilespmem:s19], [sflag:$0x1] =	stream.indirect_vreg.gather [hbm4b:s1+s3], $0x80, v3, vm0, $0xb8;
	[tilespmem:$0x9100] =	vst v63  }
0x4f: {  	v3 =	vld [tilespmem:$0x60];
	_ =	sdelay $0x4  }
0x50: {  	v61 =	vshll.u32 v3, $0x1  }
0x51: {  	v3 =	vand.u32 $0x7, v3;
	v4 =	vand.u32 $0xFFFFFFF0, v61  }
0x52: {  	v3 =	vor.u32 v3, v4  }
0x53: {  	v4 =	vperm.xlane v3, v0;
	_ =	sdelay $0x1  }
0x54: {  	v3 =	vperm.xlane v3, v2;
	v4 =	vadd.s32 v1, v4;
	_ =	sdelay $0x1  }
0x55: {  	v3 =	vadd.s32 v1, v3;
	_ =	sdelay $0x2  }
0x56: {  	[tilespmem:s20], [sflag:$0x1] =	stream.indirect_vreg.gather [hbm4b:s1+s3], $0x80, v4, vm0, $0xb8;
	[tilespmem:$0x9100] =	vst v63  }
0x57: {  	_ = 	snop  }
0x58: {  	[tilespmem:s21], [sflag:$0x1] =	stream.indirect_vreg.gather [hbm4b:s1+s3], $0x80, v3, vm0, $0xb8;
	[tilespmem:$0x9100] =	vst v63  }
0x59: {  	v3 =	vld [tilespmem:$0x70];
	_ =	sdelay $0x4  }
0x5a: {  	v62 =	vshll.u32 v3, $0x1  }
0x5b: {  	v3 =	vand.u32 $0x7, v3;
	v4 =	vand.u32 $0xFFFFFFF0, v62  }
0x5c: {  	v3 =	vor.u32 v3, v4  }
0x5d: {  	v4 =	vperm.xlane v3, v0;
	_ =	sdelay $0x1  }
0x5e: {  	v3 =	vperm.xlane v3, v2;
	v4 =	vadd.s32 v1, v4;
	_ =	sdelay $0x1  }
0x5f: {  	v3 =	vadd.s32 v1, v3;
	_ =	sdelay $0x2  }
0x60: {  	[tilespmem:s22], [sflag:$0x1] =	stream.indirect_vreg.gather [hbm4b:s1+s3], $0x80, v4, vm0, $0xb8;
	[tilespmem:$0x9100] =	vst v63  }
0x61: {  	_ = 	snop  }
0x62: {  	[tilespmem:s23], [sflag:$0x1] =	stream.indirect_vreg.gather [hbm4b:s1+s3], $0x80, v3, vm0, $0xb8;
	[tilespmem:$0x9100] =	vst v63  }
0x63: {  	v3 =	vld [tilespmem:$0x80];
	_ =	sdelay $0x4  }
0x64: {  	v63 =	vshll.u32 v3, $0x1  }
0x65: {  	v3 =	vand.u32 $0x7, v3;
	v4 =	vand.u32 $0xFFFFFFF0, v63  }
0x66: {  	v3 =	vor.u32 v3, v4  }
0x67: {  	v4 =	vperm.xlane v3, v0;
	_ =	sdelay $0x1  }
0x68: {  	v3 =	vperm.xlane v3, v2;
	v4 =	vadd.s32 v1, v4;
	_ =	sdelay $0x1  }
0x69: {  	v3 =	vadd.s32 v1, v3;
	_ =	sdelay $0x2  }
0x6a: {  	[tilespmem:s24], [sflag:$0x1] =	stream.indirect_vreg.gather [hbm4b:s1+s3], $0x80, v4, vm0, $0xb8;
	[tilespmem:$0x9100] =	vst v63  }
0x6b: {  	_ = 	snop  }
0x6c: {  	[tilespmem:s25], [sflag:$0x1] =	stream.indirect_vreg.gather [hbm4b:s1+s3], $0x80, v3, vm0, $0xb8;
	[tilespmem:$0x9100] =	vst v63  }
0x6d: {  	_ =	swait.ge [sflag:s26], $0x9000  }
0x6e: {  	p0 =	sne.s32 s6, $0x1;
	[sflag:s26] =	ssyncset.done $0x0  }
.Ltmp0:
0x6f: {  	[sflag:s26] =	ssyncadd.s32 $0xFFFF7000;
	(pc) =	sbr.rel @p0 .LBB2_1-.Ltmp0, $4  }
0x70: {  	[hbm4b:s5+s3] =	stream.linear.scatter [tilespmem:s8], [sflag:$0x2], $0x9000, $0x38;
	[tilespmem:$0x9100] =	vst v63  }
0x71: {  	_ =	swait.ge [sflag:s7], $0x9000  }
0x72: {  	[sflag:s7] =	ssyncset.done $0x0  }
0x73: {  	s6 =	sadd.s32 $0xFFFFFFFF, s6;
	[sflag:s7] =	ssyncadd.s32 $0xFFFF7000  }
0x74: {  	_ =	sfence.sel $0x180000  }
0x75: {  	[bflag:$0x0] =	sbarrier.arrive $0xFFFF  }
0x76: {  	p0 =	sne.s32 s0, $0x0;
	_ =	strace $0x90000047  }
0x77: {  	s0 =	sadd.s32 @!p0 $0x100000, s2;
	[bflag:$0x2] =	sbarrier.arrive $0xFFFF  }
0x78: {  	[sflag:s0] =	ssyncadd.tile.s32 @!p0 $0x1;
	_ =	shalt  }
.Lfunc_end2:
_tile_overlayer_lowered:
.L_overlay_start_2:
0x79: {  	(tag) =	ssettag $0x2  }
0x7a: {  	s0 =	rddreg [dreg:$0x0];
	s2 =	stileid.u32  }
0x7b: {  	s1 =	rddreg [dreg:$0x1];
	p0 =	sne.s32 s2, $0x0  }
0x7c: {  	s3 =	rddreg [dreg:$0x2];
	[bflag:$0x3] =	sbarrier.arrive $0xFFFF;
	s2 =	simm.s32 @!p0 $0x1C02  }
0x7d: {  	[timem:s3], [sflag:s2] =	dma.local @!p0 [hbm:s0], s1  }
0x7e: {  	s0 =	simm.s32 @!p0 $0x2  }
0x7f: {  	_ =	swait.ge @!p0 [sflag:s0], s1  }
0x80: {  	s1 =	ssub.s32 @!p0 $0x0, s1;
	[sflag:s0] =	ssyncset.done @!p0 $0x0  }
0x81: {  	[sflag:s0] =	ssyncadd.s32 @!p0 s1  }
0x82: {  	[bflag:$0x3] =	sbarrier.arrive $0xFFFF  }
0x83: {  	_ =	shalt  }

</sc_bundles>
